<compile_context>
chip_gen: v7x
topology: tpu7x:2x2x1
jax: 0.10.2.dev20260603
libtpu: 0.0.44.dev20260713+nightly
codegen_flags: <defaults>
</compile_context>

<pallas_src>
import functools

import jax
import jax.numpy as jnp
from jax import lax
from jax.experimental import pallas as pl
from jax.experimental.pallas import tpu as pltpu
from jax.experimental.pallas import tpu_sc as plsc

B, P, N, C = 2, 12000, 32, 9
U = 64
H, WIDTH = 496, 432
HW = H * WIDTH
EPS = 1e-3
R = P * N
NTILES = 32
CPT = B * HW // NTILES
SEG = 128
UP = 128
NU = 8
PAD_ROWS = 8
CPTP = 13440
GF = 24064
LIST_CAP = CPT + 16


def _pfn_body(f_ref, wt_ref, gam_ref, bet_ref, out_ref, acc_ref, q_ref, s_ref):
    n_idx = pl.program_id(1)
    wt = wt_ref[...]
    f8 = f_ref[0]
    xs = [lax.dot_general(f8[:, j, :], wt, (((0,), (0,)), ((), ())),
                          preferred_element_type=jnp.float32)
          for j in range(NU)]
    while len(xs) > 1:
        xs = [jnp.maximum(xs[2 * i], xs[2 * i + 1]) for i in range(len(xs) // 2)]
    xn = xs[0]

    f2 = f8.reshape(C * NU, P)
    q72 = lax.dot_general(f2, f2, (((1,), (1,)), ((), ())),
                          preferred_element_type=jnp.float32)
    s72 = lax.dot_general(jnp.ones((1, P), jnp.float32), f2,
                          (((1,), (1,)), ((), ())),
                          preferred_element_type=jnp.float32)
    r72 = lax.broadcasted_iota(jnp.int32, (C * NU, 1), 0)
    sel = (r72 // NU == lax.broadcasted_iota(jnp.int32, (1, C), 1)
           ).astype(jnp.float32)
    dmask = (r72 % NU == lax.broadcasted_iota(jnp.int32, (1, C * NU), 1) % NU
             ).astype(jnp.float32)
    qp = lax.dot_general(
        lax.dot_general(q72 * dmask, sel, (((1,), (0,)), ((), ())),
                        preferred_element_type=jnp.float32),
        sel, (((0,), (0,)), ((), ())),
        preferred_element_type=jnp.float32)
    sp = lax.dot_general(s72, sel, (((1,), (0,)), ((), ())),
                         preferred_element_type=jnp.float32)

    @pl.when(n_idx == 0)
    def _():
        acc_ref[...] = xn
        q_ref[...] = qp
        s_ref[...] = sp

    @pl.when(n_idx > 0)
    def _():
        acc_ref[...] = jnp.maximum(acc_ref[...], xn)
        q_ref[...] += qp
        s_ref[...] += sp

    @pl.when(n_idx == N // NU - 1)
    def _():
        nn = jnp.float32(R)
        mu = lax.dot_general(s_ref[...] / nn, wt, (((1,), (0,)), ((), ())),
                             preferred_element_type=jnp.float32)
        aw = lax.dot_general(q_ref[...] / nn, wt, (((1,), (0,)), ((), ())),
                             preferred_element_type=jnp.float32)
        ex2 = jnp.sum(aw * wt, axis=0, keepdims=True)
        var = ex2 - mu * mu
        scale = gam_ref[...] * lax.rsqrt(var + EPS)
        bias = bet_ref[...] - mu * scale
        out_ref[0] = jnp.maximum(acc_ref[...] * scale + bias, 0.0)


def _pfn(ft, wt, gamma2, beta2):
    return pl.pallas_call(
        _pfn_body,
        grid=(B, N // NU),
        in_specs=[
            pl.BlockSpec((1, C, NU, P), lambda b, n: (b, 0, n, 0)),
            pl.BlockSpec((C, UP), lambda b, n: (0, 0)),
            pl.BlockSpec((1, UP), lambda b, n: (0, 0)),
            pl.BlockSpec((1, UP), lambda b, n: (0, 0)),
        ],
        out_specs=pl.BlockSpec((1, P, UP), lambda b, n: (b, 0, 0)),
        out_shape=jax.ShapeDtypeStruct((B, P, UP), jnp.float32),
        scratch_shapes=[pltpu.VMEM((P, UP), jnp.float32),
                        pltpu.VMEM((C, C), jnp.float32),
                        pltpu.VMEM((1, C), jnp.float32)],
        compiler_params=pltpu.CompilerParams(
            vmem_limit_bytes=100 * 1024 * 1024),
    )(ft, wt, gamma2, beta2)


XB = 8


def _emit_body(ct_ref, wm_ref, out_ref):
    for xi in range(XB):
        x = ct_ref[xi * H:(xi + 1) * H, :U]
        keep = wm_ref[0, 0, xi * H:(xi + 1) * H] >= 0
        out_ref[0, :, xi, :] = jnp.where(keep[None, :], x.T, 0.0)


def _emit(canvas_t, wmap):
    wmap3 = wmap.reshape(B * (WIDTH // XB), 1, XB * H)
    return pl.pallas_call(
        _emit_body,
        grid=(B, WIDTH // XB),
        in_specs=[
            pl.BlockSpec((XB * H, UP), lambda b, j: (b * (WIDTH // XB) + j, 0)),
            pl.BlockSpec((1, 1, XB * H),
                         lambda b, j: (b * (WIDTH // XB) + j, 0, 0)),
        ],
        out_specs=pl.BlockSpec((1, U, XB, H), lambda b, j: (b, 0, j, 0)),
        out_shape=jax.ShapeDtypeStruct((B, U, WIDTH, H), jnp.float32),
    )(canvas_t, wmap3)


_MESH = plsc.VectorSubcoreMesh(core_axis_name="c", subcore_axis_name="s")
_SC_PARAMS = pltpu.CompilerParams(needs_layout_passes=False)


def _sc_wmap(gflat):

    @functools.partial(
        pl.kernel,
        out_type=jax.ShapeDtypeStruct((NTILES, CPTP), jnp.int32),
        mesh=_MESH,
        scratch_types=[
            pltpu.VMEM((GF,), jnp.int32),
            pltpu.VMEM((CPTP + 16,), jnp.int32),
        ],
        compiler_params=_SC_PARAMS,
    )
    def body(gflat_hbm, wmap_hbm, gflat_v, wmap_v):
        cid = lax.axis_index("c")
        sid = lax.axis_index("s")
        wid = sid * 2 + cid
        lo = wid * CPT
        pltpu.sync_copy(gflat_hbm, gflat_v)
        lane = lax.iota(jnp.int32, 16)
        neg1 = jnp.full((16,), -1, jnp.int32)

        def init_w(i, _):
            wmap_v[pl.ds(i * 16, 16)] = neg1
            return 0
        lax.fori_loop(0, (CPTP + 16) // 16, init_w, 0)

        def chunk(i, _):
            f = gflat_v[pl.ds(i * 16, 16)]
            p = lane + i * 16
            m = (f >= lo) & (f < lo + CPT)
            fc = jnp.where(m, f - lo, CPT + lane)
            for l in range(16):
                plsc.store_scatter(wmap_v, [fc], p, mask=m & (lane == l))
            return 0
        lax.fori_loop(0, GF // 16, chunk, 0)

        pltpu.sync_copy(wmap_v.at[pl.ds(0, CPTP)], wmap_hbm.at[wid])

    return body(gflat)


def _sc_move(wmap2d, xmax_rows):

    @functools.partial(
        pl.kernel,
        out_type=jax.ShapeDtypeStruct((B * HW + PAD_ROWS, UP), jnp.float32),
        mesh=_MESH,
        scratch_types=[
            pltpu.VMEM((CPTP,), jnp.int32),
            pltpu.VMEM((LIST_CAP,), jnp.int32),
            pltpu.VMEM((LIST_CAP,), jnp.int32),
            pltpu.VMEM((1, SEG), jnp.int32),
            pltpu.VMEM((1, SEG), jnp.int32),
            pltpu.VMEM((SEG, UP), jnp.float32),
        ],
        compiler_params=_SC_PARAMS,
    )
    def body(wmap_hbm, xmax_hbm, canvas_hbm,
             wmap_v, plist_v, flist_v, pseg_v, fseg_v, rows_v):
        cid = lax.axis_index("c")
        sid = lax.axis_index("s")
        wid = sid * 2 + cid
        lo = wid * CPT
        pltpu.sync_copy(wmap_hbm.at[wid], wmap_v)
        lane = lax.iota(jnp.int32, 16)
        padrow = jnp.full((16,), B * HW, jnp.int32) + (lane & (PAD_ROWS - 1))
        zero16 = jnp.zeros((16,), jnp.int32)

        def init_l(i, _):
            plist_v[pl.ds(i * 16, 16)] = zero16
            flist_v[pl.ds(i * 16, 16)] = padrow
            return 0
        lax.fori_loop(0, LIST_CAP // 16, init_l, 0)

        def cells(i, cur):
            w = wmap_v[pl.ds(i * 16, 16)]
            m = w >= 0
            plsc.store_compressed(plist_v.at[pl.ds(cur, 16)], w, mask=m)
            plsc.store_compressed(flist_v.at[pl.ds(cur, 16)],
                                  lane + (lo + i * 16), mask=m)
            return cur + jnp.sum(m.astype(jnp.int32))
        nwin = lax.fori_loop(0, CPT // 16, cells, 0)
        nseg = (nwin + SEG - 1) // SEG

        def seg(s, _):
            def cp(j, _):
                pseg_v[0, pl.ds(j * 16, 16)] = plist_v[pl.ds(s * SEG + j * 16, 16)]
                fseg_v[0, pl.ds(j * 16, 16)] = flist_v[pl.ds(s * SEG + j * 16, 16)]
                return 0
            lax.fori_loop(0, SEG // 16, cp, 0)
            pltpu.sync_copy(xmax_hbm.at[pseg_v.at[0]], rows_v)
            pltpu.sync_copy(rows_v, canvas_hbm.at[fseg_v.at[0]])
            return 0
        lax.fori_loop(0, nseg, seg, 0)

    return body(wmap2d, xmax_rows)


def kernel(feats, coords, W, gamma, beta):
    wt = jnp.pad(W.T, ((0, 0), (0, UP - U)))
    gamma2 = jnp.pad(gamma.reshape(1, U), ((0, 0), (0, UP - U)))
    beta2 = jnp.pad(beta.reshape(1, U), ((0, 0), (0, UP - U)))

    ft = jnp.transpose(feats, (0, 3, 2, 1))
    xmax = _pfn(ft, wt, gamma2, beta2)
    xmax_rows = xmax.reshape(B * P, UP)

    c = coords.astype(jnp.int32)
    gflat = (c[:, :, 1] * H + c[:, :, 0]
             + (jnp.arange(B, dtype=jnp.int32) * HW)[:, None]).reshape(B * P)
    gflat = jnp.pad(gflat, (0, GF - B * P), constant_values=jnp.int32(2 ** 29))

    wmap2d = _sc_wmap(gflat)
    canvas_t = _sc_move(wmap2d, xmax_rows)
    wmap = wmap2d[:, :CPT].reshape(B * HW)
    out = _emit(canvas_t, wmap)
    return out.swapaxes(2, 3)

# --- scband reference (transcript-rebuilt; emitter-appended) ---
"""Pipeline reference for scband-pillar-feature-net-52398601011655 (READ-ONLY COPY).

The authoritative reference and input builder live on the scoring server;
editing this copy changes nothing except your own understanding.
"""

import jax, jax.numpy as jnp
import numpy as np

B, P, N, C_IN = 2, 12000, 32, 9
UNITS = 64
OUT_SHAPE = (64, 496, 432)
EPS = 1e-3

def setup_inputs(seed: int = 0) -> dict:
    key = jax.random.key(seed)
    k1, k2, k3 = jax.random.split(key, 3)
    feats = jax.random.normal(k1, (B, P, N, C_IN), dtype=jnp.float32)
    coords = jax.random.randint(k2, (B, P, 2), 0, 432, dtype=jnp.int64 if jax.config.read('jax_enable_x64') else jnp.int32)
    W = jax.random.normal(k3, (UNITS, C_IN), dtype=jnp.float32) * 0.01  # Linear(bias=False) weight
    gamma = jnp.ones((UNITS,), dtype=jnp.float32)
    beta = jnp.zeros((UNITS,), dtype=jnp.float32)
    return {"feats": feats, "coords": coords, "W": W, "gamma": gamma, "beta": beta}

def reference(feats, coords, W, gamma, beta):
    # PFNLayer (single, last_layer=True): linear -> BatchNorm1d (per-sample batch stats,
    # matching torch training-mode BN applied inside the per-sample loop) -> relu -> max over points
    x = jnp.einsum('bpnc,uc->bpnu', feats, W)  # [B, P, N, UNITS]
    mean = jnp.mean(x, axis=(1, 2), keepdims=True)
    var = jnp.var(x, axis=(1, 2), keepdims=True)
    x = (x - mean) / jnp.sqrt(var + EPS) * gamma + beta
    x = jax.nn.relu(x)
    x_max = jnp.max(x, axis=2)  # [B, P, UNITS]
    # scatter pillar features into BEV canvas: convas[:, y, x] = feat.T (overwrite)
    b_idx = jnp.broadcast_to(jnp.arange(feats.shape[0])[:, None], (feats.shape[0], feats.shape[1]))
    y = coords[..., 0]
    xcoord = coords[..., 1]
    canvas = jnp.zeros((feats.shape[0],) + OUT_SHAPE, dtype=feats.dtype)
    canvas = canvas.at[b_idx, :, y, xcoord].set(x_max)
    return canvas

if __name__ == "__main__":
    import jax
    _d = setup_inputs()
    print(jax.jit(kernel)(*tuple(_d.values())))

</pallas_src>

<mosaic_0001>
#map = affine_map<(d0, d1) -> (0, 0)>
module attributes {stable_mosaic.version = 14 : i64} {
  func.func @body(%arg0: i32, %arg1: i32, %arg2: memref<32x13440xi32, #tpu.memory_space<hbm>>, %arg3: memref<24000x128xf32, #tpu.memory_space<hbm>>, %arg4: memref<428552x128xf32, #tpu.memory_space<hbm>>, %arg5: memref<13440xi32, #tpu.memory_space<vmem>>, %arg6: memref<13408xi32, #tpu.memory_space<vmem>>, %arg7: memref<13408xi32, #tpu.memory_space<vmem>>, %arg8: memref<1x128xi32, #tpu.memory_space<vmem>>, %arg9: memref<1x128xi32, #tpu.memory_space<vmem>>, %arg10: memref<128x128xf32, #tpu.memory_space<vmem>>) attributes {dimension_semantics = [#tpu.dimension_semantics<core_parallel>, #tpu.dimension_semantics<subcore_parallel>], iteration_bounds = array<i64: 2, 16>, scalar_prefetch = 0 : i64, scratch_operands = 6 : i64, tpu.core_type = #tpu.core_type<sc_vector_subcore>, window_params = [{transform_indices = #map}, {transform_indices = #map}, {transform_indices = #map}]} {
    %mul3A = arith.constant 2 : i32
    %mul3A_0 = arith.muli %arg1, %mul3A : i32
    %add3A = arith.addi %mul3A_0, %arg0 : i32
    %mul3A_1 = arith.constant 13392 : i32
    %mul3A_2 = arith.muli %add3A, %mul3A_1 : i32
    "tpu.region"() ({
      %run_scoped3A = tpu.sem_alloc : memref<!tpu.dma_semaphore, #tpu.memory_space<semaphore_mem>>
      %dma_start3A = arith.constant 0 : i32
      %dma_start3A_54 = tpu.memref_slice %arg2[%add3A, %dma_start3A] : memref<32x13440xi32, #tpu.memory_space<hbm>> -> memref<1x13440xi32, #tpu.memory_space<hbm>>
      %dma_start3A_55 = tpu.memref_squeeze %dma_start3A_54 : memref<1x13440xi32, #tpu.memory_space<hbm>> -> memref<13440xi32, #tpu.memory_space<hbm>>
      %dma_start3A_56 = arith.constant 0 : i32
      %dma_start3A_57 = tpu.memref_slice %arg2[%add3A, %dma_start3A_56] : memref<32x13440xi32, #tpu.memory_space<hbm>> -> memref<1x13440xi32, #tpu.memory_space<hbm>>
      %dma_start3A_58 = tpu.memref_squeeze %dma_start3A_57 : memref<1x13440xi32, #tpu.memory_space<hbm>> -> memref<13440xi32, #tpu.memory_space<hbm>>
      tpu.enqueue_dma source(%dma_start3A_58 : memref<13440xi32, #tpu.memory_space<hbm>>) target(%arg5 : memref<13440xi32, #tpu.memory_space<vmem>>) target_semaphore(%run_scoped3A : memref<!tpu.dma_semaphore, #tpu.memory_space<semaphore_mem>>)
      %dma_wait3A = arith.constant 0 : i32
      %dma_wait3A_59 = tpu.memref_slice %arg2[%add3A, %dma_wait3A] : memref<32x13440xi32, #tpu.memory_space<hbm>> -> memref<1x13440xi32, #tpu.memory_space<hbm>>
      %dma_wait3A_60 = tpu.memref_squeeze %dma_wait3A_59 : memref<1x13440xi32, #tpu.memory_space<hbm>> -> memref<13440xi32, #tpu.memory_space<hbm>>
      %dma_wait3A_61 = arith.constant 0 : i32
      %dma_wait3A_62 = tpu.memref_slice %arg2[%add3A, %dma_wait3A_61] : memref<32x13440xi32, #tpu.memory_space<hbm>> -> memref<1x13440xi32, #tpu.memory_space<hbm>>
      %dma_wait3A_63 = tpu.memref_squeeze %dma_wait3A_62 : memref<1x13440xi32, #tpu.memory_space<hbm>> -> memref<13440xi32, #tpu.memory_space<hbm>>
      tpu.wait_dma2 semaphore(%run_scoped3A : memref<!tpu.dma_semaphore, #tpu.memory_space<semaphore_mem>>) src(%dma_wait3A_63 : memref<13440xi32, #tpu.memory_space<hbm>>) dst(%arg5 : memref<13440xi32, #tpu.memory_space<vmem>>)
      tpu.yield
    }) : () -> ()
    %iota3A = tpu.iota {dimensions = array<i32: 0>} : vector<16xi32>
    %broadcast_in_dim3A = arith.constant 428544 : i32
    %broadcast_in_dim3A_3 = vector.broadcast %broadcast_in_dim3A : i32 to vector<16xi32>
    %and3A = arith.constant 7 : i32
    %and3A_4 = vector.broadcast %and3A : i32 to vector<16xi32>
    %and3A_5 = arith.andi %iota3A, %and3A_4 : vector<16xi32>
    %add3A_6 = arith.addi %broadcast_in_dim3A_3, %and3A_5 : vector<16xi32>
    %broadcast_in_dim3A_7 = arith.constant 0 : i32
    %broadcast_in_dim3A_8 = vector.broadcast %broadcast_in_dim3A_7 : i32 to vector<16xi32>
    %scan3A = arith.constant 0 : i32
    %scan3A_9 = arith.constant 0 : i32
    %scan3A_10 = arith.constant 838 : i32
    %scan3A_11 = arith.addi %scan3A_9, %scan3A_10 : i32
    %scan3A_12 = arith.constant 1 : i32
    %scan3A_13 = scf.for %scan3A_54 = %scan3A_9 to %scan3A_11 step %scan3A_12 iter_args(%scan3A_55 = %scan3A) -> (i32)  : i32 {
      %mul3A_56 = arith.constant 16 : i32
      %mul3A_57 = arith.muli %scan3A_54, %mul3A_56 : i32
      %swap3A = arith.index_cast %mul3A_57 : i32 to index
      %swap3A_58 = tpu.vector_load %arg6[%swap3A] {strides = array<i32>} : memref<13408xi32, #tpu.memory_space<vmem>>, vector<16xi32>,
      tpu.vector_store %arg6[%swap3A], %broadcast_in_dim3A_8 {strides = array<i32>} : memref<13408xi32, #tpu.memory_space<vmem>>, vector<16xi32>,
      %mul3A_59 = arith.constant 16 : i32
      %mul3A_60 = arith.muli %scan3A_54, %mul3A_59 : i32
      %swap3A_61 = arith.index_cast %mul3A_60 : i32 to index
      %swap3A_62 = tpu.vector_load %arg7[%swap3A_61] {strides = array<i32>} : memref<13408xi32, #tpu.memory_space<vmem>>, vector<16xi32>,
      tpu.vector_store %arg7[%swap3A_61], %add3A_6 {strides = array<i32>} : memref<13408xi32, #tpu.memory_space<vmem>>, vector<16xi32>,
      %scan3A_63 = arith.constant 0 : i32
      scf.yield %scan3A_63 : i32
    }
    %scan3A_14 = arith.constant 838 : i32
    %scan3A_15 = arith.constant 0 : i32
    %scan3A_16 = arith.constant 0 : i32
    %scan3A_17 = arith.constant 837 : i32
    %scan3A_18 = arith.addi %scan3A_16, %scan3A_17 : i32
    %scan3A_19 = arith.constant 1 : i32
    %scan3A_20 = scf.for %scan3A_54 = %scan3A_16 to %scan3A_18 step %scan3A_19 iter_args(%scan3A_55 = %scan3A_15) -> (i32)  : i32 {
      %mul3A_56 = arith.constant 16 : i32
      %mul3A_57 = arith.muli %scan3A_54, %mul3A_56 : i32
      %get3A = arith.index_cast %mul3A_57 : i32 to index
      %get3A_58 = tpu.vector_load %arg5[%get3A] {strides = array<i32>} : memref<13440xi32, #tpu.memory_space<vmem>>, vector<16xi32>,
      %ge3A = arith.constant 0 : i32
      %ge3A_59 = vector.broadcast %ge3A : i32 to vector<16xi32>
      %ge3A_60 = arith.cmpi sge, %get3A_58, %ge3A_59 : vector<16xi32>
      %swap3A = arith.index_cast %scan3A_55 : i32 to index
      %swap3A_61 = tpu.vector_load %arg6[%swap3A] masked %ge3A_60 {strides = array<i32>} : memref<13408xi32, #tpu.memory_space<vmem>>, vector<16xi32>, vector<16xi1>
      tpu.vector_store %arg6[%swap3A], %get3A_58 masked %ge3A_60 {strides = array<i32>} : memref<13408xi32, #tpu.memory_space<vmem>>, vector<16xi32>, vector<16xi1>
      %mul3A_62 = arith.constant 16 : i32
      %mul3A_63 = arith.muli %scan3A_54, %mul3A_62 : i32
      %add3A_64 = arith.addi %mul3A_2, %mul3A_63 : i32
      %add3A_65 = vector.broadcast %add3A_64 : i32 to vector<16xi32>
      %add3A_66 = arith.addi %iota3A, %add3A_65 : vector<16xi32>
      %swap3A_67 = arith.index_cast %scan3A_55 : i32 to index
      %swap3A_68 = tpu.vector_load %arg7[%swap3A_67] masked %ge3A_60 {strides = array<i32>} : memref<13408xi32, #tpu.memory_space<vmem>>, vector<16xi32>, vector<16xi1>
      tpu.vector_store %arg7[%swap3A_67], %add3A_66 masked %ge3A_60 {strides = array<i32>} : memref<13408xi32, #tpu.memory_space<vmem>>, vector<16xi32>, vector<16xi1>
      %convert_element_type3A = arith.extui %ge3A_60 : vector<16xi1> to vector<16xi32>
      %reduce_sum3A = arith.constant true
      %reduce_sum3A_69 = vector.broadcast %reduce_sum3A : i1 to vector<16xi1>
      %reduce_sum3A_70 = tpu.scan <sum>, %convert_element_type3A masked %reduce_sum3A_69 : vector<16xi32>, vector<16xi1> -> vector<16xi32>
      %reduce_sum3A_71 = vector.extract %reduce_sum3A_70[15] : i32 from vector<16xi32>
      %add3A_72 = arith.addi %scan3A_55, %reduce_sum3A_71 : i32
      scf.yield %add3A_72 : i32
    }
    %scan3A_21 = arith.constant 837 : i32
    %add3A_22 = arith.constant 128 : i32
    %add3A_23 = arith.addi %scan3A_20, %add3A_22 : i32
    %sub3A = arith.constant 1 : i32
    %sub3A_24 = arith.subi %add3A_23, %sub3A : i32
    %jit3A = arith.constant 128 : i32
    %div3A = arith.divsi %sub3A_24, %jit3A : i32
    %sign3A = arith.constant 0 : i32
    %sign3A_25 = arith.cmpi sgt, %sub3A_24, %sign3A : i32
    %sign3A_26 = arith.extui %sign3A_25 : i1 to i32
    %sign3A_27 = arith.constant 0 : i32
    %sign3A_28 = arith.cmpi slt, %sub3A_24, %sign3A_27 : i32
    %sign3A_29 = arith.extui %sign3A_28 : i1 to i32
    %sign3A_30 = arith.subi %sign3A_26, %sign3A_29 : i32
    %sign3A_31 = arith.constant 0 : i32
    %sign3A_32 = arith.cmpi sgt, %jit3A, %sign3A_31 : i32
    %sign3A_33 = arith.extui %sign3A_32 : i1 to i32
    %sign3A_34 = arith.constant 0 : i32
    %sign3A_35 = arith.cmpi slt, %jit3A, %sign3A_34 : i32
    %sign3A_36 = arith.extui %sign3A_35 : i1 to i32
    %sign3A_37 = arith.subi %sign3A_33, %sign3A_36 : i32
    %ne3A = arith.cmpi ne, %sign3A_30, %sign3A_37 : i32
    %rem3A = arith.remsi %sub3A_24, %jit3A : i32
    %ne3A_38 = arith.constant 0 : i32
    %ne3A_39 = arith.cmpi ne, %rem3A, %ne3A_38 : i32
    %and3A_40 = arith.andi %ne3A, %ne3A_39 : i1
    %sub3A_41 = arith.constant 1 : i32
    %sub3A_42 = arith.subi %div3A, %sub3A_41 : i32
    %select_n3A = arith.select %and3A_40, %sub3A_42, %div3A : i32
    %while3A = arith.constant 0 : i32
    %while3A_43 = arith.constant 0 : i32
    %while3A_44 = arith.subi %select_n3A, %while3A : i32
    %while3A_45 = arith.addi %while3A, %while3A_44 : i32
    %while3A_46 = arith.constant 1 : i32
    %while3A_47 = arith.divsi %while3A_44, %while3A_46 : i32
    %while3A_48 = arith.muli %while3A_47, %while3A_46 : i32
    %while3A_49 = arith.addi %while3A, %while3A_48 : i32
    %while3A_50 = arith.constant 1 : i32
    %while3A_51 = scf.for %while3A_54 = %while3A to %while3A_49 step %while3A_50 iter_args(%while3A_55 = %while3A_43) -> (i32)  : i32 {
      %scan3A_56 = arith.constant 0 : i32
      %scan3A_57 = arith.constant 0 : i32
      %scan3A_58 = arith.constant 8 : i32
      %scan3A_59 = arith.addi %scan3A_57, %scan3A_58 : i32
      %scan3A_60 = arith.constant 1 : i32
      %scan3A_61 = scf.for %scan3A_65 = %scan3A_57 to %scan3A_59 step %scan3A_60 iter_args(%scan3A_66 = %scan3A_56) -> (i32)  : i32 {
        %mul3A_67 = arith.constant 128 : i32
        %mul3A_68 = arith.muli %while3A_54, %mul3A_67 : i32
        %mul3A_69 = arith.constant 16 : i32
        %mul3A_70 = arith.muli %scan3A_65, %mul3A_69 : i32
        %add3A_71 = arith.addi %mul3A_68, %mul3A_70 : i32
        %get3A = arith.index_cast %add3A_71 : i32 to index
        %get3A_72 = tpu.vector_load %arg6[%get3A] {strides = array<i32>} : memref<13408xi32, #tpu.memory_space<vmem>>, vector<16xi32>,
        %mul3A_73 = arith.constant 16 : i32
        %mul3A_74 = arith.muli %scan3A_65, %mul3A_73 : i32
        %swap3A = arith.constant 0 : i32
        %swap3A_75 = arith.index_cast %swap3A : i32 to index
        %swap3A_76 = arith.index_cast %mul3A_74 : i32 to index
        %swap3A_77 = tpu.vector_load %arg8[%swap3A_75, %swap3A_76] {strides = array<i32>} : memref<1x128xi32, #tpu.memory_space<vmem>>, vector<16xi32>,
        tpu.vector_store %arg8[%swap3A_75, %swap3A_76], %get3A_72 {strides = array<i32>} : memref<1x128xi32, #tpu.memory_space<vmem>>, vector<16xi32>,
        %mul3A_78 = arith.constant 128 : i32
        %mul3A_79 = arith.muli %while3A_54, %mul3A_78 : i32
        %mul3A_80 = arith.constant 16 : i32
        %mul3A_81 = arith.muli %scan3A_65, %mul3A_80 : i32
        %add3A_82 = arith.addi %mul3A_79, %mul3A_81 : i32
        %get3A_83 = arith.index_cast %add3A_82 : i32 to index
        %get3A_84 = tpu.vector_load %arg7[%get3A_83] {strides = array<i32>} : memref<13408xi32, #tpu.memory_space<vmem>>, vector<16xi32>,
        %mul3A_85 = arith.constant 16 : i32
        %mul3A_86 = arith.muli %scan3A_65, %mul3A_85 : i32
        %swap3A_87 = arith.constant 0 : i32
        %swap3A_88 = arith.index_cast %swap3A_87 : i32 to index
        %swap3A_89 = arith.index_cast %mul3A_86 : i32 to index
        %swap3A_90 = tpu.vector_load %arg9[%swap3A_88, %swap3A_89] {strides = array<i32>} : memref<1x128xi32, #tpu.memory_space<vmem>>, vector<16xi32>,
        tpu.vector_store %arg9[%swap3A_88, %swap3A_89], %get3A_84 {strides = array<i32>} : memref<1x128xi32, #tpu.memory_space<vmem>>, vector<16xi32>,
        %scan3A_91 = arith.constant 0 : i32
        scf.yield %scan3A_91 : i32
      }
      %scan3A_62 = arith.constant 8 : i32
      %run_scoped3A = arith.constant 0 : i32
      "tpu.region"() ({
        %run_scoped3A_65 = tpu.sem_alloc : memref<!tpu.dma_semaphore, #tpu.memory_space<semaphore_mem>>
        %dma_start3A = arith.constant 0 : i32
        %dma_start3A_66 = tpu.memref_slice %arg8[%run_scoped3A, %dma_start3A] : memref<1x128xi32, #tpu.memory_space<vmem>> -> memref<1x128xi32, #tpu.memory_space<vmem>>
        %dma_start3A_67 = tpu.memref_squeeze %dma_start3A_66 : memref<1x128xi32, #tpu.memory_space<vmem>> -> memref<128xi32, #tpu.memory_space<vmem>>
        %dma_start3A_68 = arith.constant 0 : i32
        %dma_start3A_69 = arith.constant 0 : i32
        %dma_start3A_70 = tpu.memref_slice %arg3[%dma_start3A_68, %dma_start3A_69] : memref<24000x128xf32, #tpu.memory_space<hbm>> -> memref<24000x128xf32, #tpu.memory_space<hbm>>
        tpu.enqueue_indirect_dma source(%dma_start3A_70 : memref<24000x128xf32, #tpu.memory_space<hbm>>) target(%arg10 : memref<128x128xf32, #tpu.memory_space<vmem>>) offsets(%dma_start3A_67 : memref<128xi32, #tpu.memory_space<vmem>>) semaphore(%run_scoped3A_65 : memref<!tpu.dma_semaphore, #tpu.memory_space<semaphore_mem>>)
        %dma_wait3A = arith.constant 0 : i32
        %dma_wait3A_71 = tpu.memref_slice %arg8[%run_scoped3A, %dma_wait3A] : memref<1x128xi32, #tpu.memory_space<vmem>> -> memref<1x128xi32, #tpu.memory_space<vmem>>
        %dma_wait3A_72 = tpu.memref_squeeze %dma_wait3A_71 : memref<1x128xi32, #tpu.memory_space<vmem>> -> memref<128xi32, #tpu.memory_space<vmem>>
        %dma_wait3A_73 = arith.constant 0 : i32
        %dma_wait3A_74 = arith.constant 0 : i32
        %dma_wait3A_75 = tpu.memref_slice %arg3[%dma_wait3A_73, %dma_wait3A_74] : memref<24000x128xf32, #tpu.memory_space<hbm>> -> memref<24000x128xf32, #tpu.memory_space<hbm>>
        tpu.wait_indirect_dma semaphore(%run_scoped3A_65 : memref<!tpu.dma_semaphore, #tpu.memory_space<semaphore_mem>>) src(%dma_wait3A_75 : memref<24000x128xf32, #tpu.memory_space<hbm>>) dst(%arg10 : memref<128x128xf32, #tpu.memory_space<vmem>>)
        tpu.yield
      }) : () -> ()
      %run_scoped3A_63 = arith.constant 0 : i32
      "tpu.region"() ({
        %run_scoped3A_65 = tpu.sem_alloc : memref<!tpu.dma_semaphore, #tpu.memory_space<semaphore_mem>>
        %dma_start3A = arith.constant 0 : i32
        %dma_start3A_66 = tpu.memref_slice %arg9[%run_scoped3A_63, %dma_start3A] : memref<1x128xi32, #tpu.memory_space<vmem>> -> memref<1x128xi32, #tpu.memory_space<vmem>>
        %dma_start3A_67 = tpu.memref_squeeze %dma_start3A_66 : memref<1x128xi32, #tpu.memory_space<vmem>> -> memref<128xi32, #tpu.memory_space<vmem>>
        %dma_start3A_68 = arith.constant 0 : i32
        %dma_start3A_69 = arith.constant 0 : i32
        %dma_start3A_70 = tpu.memref_slice %arg4[%dma_start3A_68, %dma_start3A_69] : memref<428552x128xf32, #tpu.memory_space<hbm>> -> memref<428552x128xf32, #tpu.memory_space<hbm>>
        tpu.enqueue_indirect_dma source(%arg10 : memref<128x128xf32, #tpu.memory_space<vmem>>) target(%dma_start3A_70 : memref<428552x128xf32, #tpu.memory_space<hbm>>) offsets(%dma_start3A_67 : memref<128xi32, #tpu.memory_space<vmem>>) semaphore(%run_scoped3A_65 : memref<!tpu.dma_semaphore, #tpu.memory_space<semaphore_mem>>)
        %dma_wait3A = arith.constant 0 : i32
        %dma_wait3A_71 = tpu.memref_slice %arg9[%run_scoped3A_63, %dma_wait3A] : memref<1x128xi32, #tpu.memory_space<vmem>> -> memref<1x128xi32, #tpu.memory_space<vmem>>
        %dma_wait3A_72 = tpu.memref_squeeze %dma_wait3A_71 : memref<1x128xi32, #tpu.memory_space<vmem>> -> memref<128xi32, #tpu.memory_space<vmem>>
        %dma_wait3A_73 = arith.constant 0 : i32
        %dma_wait3A_74 = arith.constant 0 : i32
        %dma_wait3A_75 = tpu.memref_slice %arg4[%dma_wait3A_73, %dma_wait3A_74] : memref<428552x128xf32, #tpu.memory_space<hbm>> -> memref<428552x128xf32, #tpu.memory_space<hbm>>
        tpu.wait_indirect_dma semaphore(%run_scoped3A_65 : memref<!tpu.dma_semaphore, #tpu.memory_space<semaphore_mem>>) src(%arg10 : memref<128x128xf32, #tpu.memory_space<vmem>>) dst(%dma_wait3A_75 : memref<428552x128xf32, #tpu.memory_space<hbm>>)
        tpu.yield
      }) : () -> ()
      %while3A_64 = arith.constant 0 : i32
      scf.yield %while3A_64 : i32
    }
    %while3A_52 = arith.constant 1 : i32
    %while3A_53 = scf.for %while3A_54 = %while3A_49 to %while3A_45 step %while3A_52 iter_args(%while3A_55 = %while3A_51) -> (i32)  : i32 {
      %scan3A_56 = arith.constant 0 : i32
      %scan3A_57 = arith.constant 0 : i32
      %scan3A_58 = arith.constant 8 : i32
      %scan3A_59 = arith.addi %scan3A_57, %scan3A_58 : i32
      %scan3A_60 = arith.constant 1 : i32
      %scan3A_61 = scf.for %scan3A_65 = %scan3A_57 to %scan3A_59 step %scan3A_60 iter_args(%scan3A_66 = %scan3A_56) -> (i32)  : i32 {
        %mul3A_67 = arith.constant 128 : i32
        %mul3A_68 = arith.muli %while3A_54, %mul3A_67 : i32
        %mul3A_69 = arith.constant 16 : i32
        %mul3A_70 = arith.muli %scan3A_65, %mul3A_69 : i32
        %add3A_71 = arith.addi %mul3A_68, %mul3A_70 : i32
        %get3A = arith.index_cast %add3A_71 : i32 to index
        %get3A_72 = tpu.vector_load %arg6[%get3A] {strides = array<i32>} : memref<13408xi32, #tpu.memory_space<vmem>>, vector<16xi32>,
        %mul3A_73 = arith.constant 16 : i32
        %mul3A_74 = arith.muli %scan3A_65, %mul3A_73 : i32
        %swap3A = arith.constant 0 : i32
        %swap3A_75 = arith.index_cast %swap3A : i32 to index
        %swap3A_76 = arith.index_cast %mul3A_74 : i32 to index
        %swap3A_77 = tpu.vector_load %arg8[%swap3A_75, %swap3A_76] {strides = array<i32>} : memref<1x128xi32, #tpu.memory_space<vmem>>, vector<16xi32>,
        tpu.vector_store %arg8[%swap3A_75, %swap3A_76], %get3A_72 {strides = array<i32>} : memref<1x128xi32, #tpu.memory_space<vmem>>, vector<16xi32>,
        %mul3A_78 = arith.constant 128 : i32
        %mul3A_79 = arith.muli %while3A_54, %mul3A_78 : i32
        %mul3A_80 = arith.constant 16 : i32
        %mul3A_81 = arith.muli %scan3A_65, %mul3A_80 : i32
        %add3A_82 = arith.addi %mul3A_79, %mul3A_81 : i32
        %get3A_83 = arith.index_cast %add3A_82 : i32 to index
        %get3A_84 = tpu.vector_load %arg7[%get3A_83] {strides = array<i32>} : memref<13408xi32, #tpu.memory_space<vmem>>, vector<16xi32>,
        %mul3A_85 = arith.constant 16 : i32
        %mul3A_86 = arith.muli %scan3A_65, %mul3A_85 : i32
        %swap3A_87 = arith.constant 0 : i32
        %swap3A_88 = arith.index_cast %swap3A_87 : i32 to index
        %swap3A_89 = arith.index_cast %mul3A_86 : i32 to index
        %swap3A_90 = tpu.vector_load %arg9[%swap3A_88, %swap3A_89] {strides = array<i32>} : memref<1x128xi32, #tpu.memory_space<vmem>>, vector<16xi32>,
        tpu.vector_store %arg9[%swap3A_88, %swap3A_89], %get3A_84 {strides = array<i32>} : memref<1x128xi32, #tpu.memory_space<vmem>>, vector<16xi32>,
        %scan3A_91 = arith.constant 0 : i32
        scf.yield %scan3A_91 : i32
      }
      %scan3A_62 = arith.constant 8 : i32
      %run_scoped3A = arith.constant 0 : i32
      "tpu.region"() ({
        %run_scoped3A_65 = tpu.sem_alloc : memref<!tpu.dma_semaphore, #tpu.memory_space<semaphore_mem>>
        %dma_start3A = arith.constant 0 : i32
        %dma_start3A_66 = tpu.memref_slice %arg8[%run_scoped3A, %dma_start3A] : memref<1x128xi32, #tpu.memory_space<vmem>> -> memref<1x128xi32, #tpu.memory_space<vmem>>
        %dma_start3A_67 = tpu.memref_squeeze %dma_start3A_66 : memref<1x128xi32, #tpu.memory_space<vmem>> -> memref<128xi32, #tpu.memory_space<vmem>>
        %dma_start3A_68 = arith.constant 0 : i32
        %dma_start3A_69 = arith.constant 0 : i32
        %dma_start3A_70 = tpu.memref_slice %arg3[%dma_start3A_68, %dma_start3A_69] : memref<24000x128xf32, #tpu.memory_space<hbm>> -> memref<24000x128xf32, #tpu.memory_space<hbm>>
        tpu.enqueue_indirect_dma source(%dma_start3A_70 : memref<24000x128xf32, #tpu.memory_space<hbm>>) target(%arg10 : memref<128x128xf32, #tpu.memory_space<vmem>>) offsets(%dma_start3A_67 : memref<128xi32, #tpu.memory_space<vmem>>) semaphore(%run_scoped3A_65 : memref<!tpu.dma_semaphore, #tpu.memory_space<semaphore_mem>>)
        %dma_wait3A = arith.constant 0 : i32
        %dma_wait3A_71 = tpu.memref_slice %arg8[%run_scoped3A, %dma_wait3A] : memref<1x128xi32, #tpu.memory_space<vmem>> -> memref<1x128xi32, #tpu.memory_space<vmem>>
        %dma_wait3A_72 = tpu.memref_squeeze %dma_wait3A_71 : memref<1x128xi32, #tpu.memory_space<vmem>> -> memref<128xi32, #tpu.memory_space<vmem>>
        %dma_wait3A_73 = arith.constant 0 : i32
        %dma_wait3A_74 = arith.constant 0 : i32
        %dma_wait3A_75 = tpu.memref_slice %arg3[%dma_wait3A_73, %dma_wait3A_74] : memref<24000x128xf32, #tpu.memory_space<hbm>> -> memref<24000x128xf32, #tpu.memory_space<hbm>>
        tpu.wait_indirect_dma semaphore(%run_scoped3A_65 : memref<!tpu.dma_semaphore, #tpu.memory_space<semaphore_mem>>) src(%dma_wait3A_75 : memref<24000x128xf32, #tpu.memory_space<hbm>>) dst(%arg10 : memref<128x128xf32, #tpu.memory_space<vmem>>)
        tpu.yield
      }) : () -> ()
      %run_scoped3A_63 = arith.constant 0 : i32
      "tpu.region"() ({
        %run_scoped3A_65 = tpu.sem_alloc : memref<!tpu.dma_semaphore, #tpu.memory_space<semaphore_mem>>
        %dma_start3A = arith.constant 0 : i32
        %dma_start3A_66 = tpu.memref_slice %arg9[%run_scoped3A_63, %dma_start3A] : memref<1x128xi32, #tpu.memory_space<vmem>> -> memref<1x128xi32, #tpu.memory_space<vmem>>
        %dma_start3A_67 = tpu.memref_squeeze %dma_start3A_66 : memref<1x128xi32, #tpu.memory_space<vmem>> -> memref<128xi32, #tpu.memory_space<vmem>>
        %dma_start3A_68 = arith.constant 0 : i32
        %dma_start3A_69 = arith.constant 0 : i32
        %dma_start3A_70 = tpu.memref_slice %arg4[%dma_start3A_68, %dma_start3A_69] : memref<428552x128xf32, #tpu.memory_space<hbm>> -> memref<428552x128xf32, #tpu.memory_space<hbm>>
        tpu.enqueue_indirect_dma source(%arg10 : memref<128x128xf32, #tpu.memory_space<vmem>>) target(%dma_start3A_70 : memref<428552x128xf32, #tpu.memory_space<hbm>>) offsets(%dma_start3A_67 : memref<128xi32, #tpu.memory_space<vmem>>) semaphore(%run_scoped3A_65 : memref<!tpu.dma_semaphore, #tpu.memory_space<semaphore_mem>>)
        %dma_wait3A = arith.constant 0 : i32
        %dma_wait3A_71 = tpu.memref_slice %arg9[%run_scoped3A_63, %dma_wait3A] : memref<1x128xi32, #tpu.memory_space<vmem>> -> memref<1x128xi32, #tpu.memory_space<vmem>>
        %dma_wait3A_72 = tpu.memref_squeeze %dma_wait3A_71 : memref<1x128xi32, #tpu.memory_space<vmem>> -> memref<128xi32, #tpu.memory_space<vmem>>
        %dma_wait3A_73 = arith.constant 0 : i32
        %dma_wait3A_74 = arith.constant 0 : i32
        %dma_wait3A_75 = tpu.memref_slice %arg4[%dma_wait3A_73, %dma_wait3A_74] : memref<428552x128xf32, #tpu.memory_space<hbm>> -> memref<428552x128xf32, #tpu.memory_space<hbm>>
        tpu.wait_indirect_dma semaphore(%run_scoped3A_65 : memref<!tpu.dma_semaphore, #tpu.memory_space<semaphore_mem>>) src(%arg10 : memref<128x128xf32, #tpu.memory_space<vmem>>) dst(%dma_wait3A_75 : memref<428552x128xf32, #tpu.memory_space<hbm>>)
        tpu.yield
      }) : () -> ()
      %while3A_64 = arith.constant 0 : i32
      scf.yield %while3A_64 : i32
    }
    return
  }
}

#map = affine_map<(d0, d1) -> (0)>
#map1 = affine_map<(d0, d1) -> (0, 0)>
module attributes {stable_mosaic.version = 14 : i64} {
  func.func @body(%arg0: i32, %arg1: i32, %arg2: memref<24064xi32, #tpu.memory_space<hbm>>, %arg3: memref<32x13440xi32, #tpu.memory_space<hbm>>, %arg4: memref<24064xi32, #tpu.memory_space<vmem>>, %arg5: memref<13456xi32, #tpu.memory_space<vmem>>) attributes {dimension_semantics = [#tpu.dimension_semantics<core_parallel>, #tpu.dimension_semantics<subcore_parallel>], iteration_bounds = array<i64: 2, 16>, scalar_prefetch = 0 : i64, scratch_operands = 2 : i64, tpu.core_type = #tpu.core_type<sc_vector_subcore>, window_params = [{transform_indices = #map}, {transform_indices = #map1}]} {
    %mul3A = arith.constant 2 : i32
    %mul3A_0 = arith.muli %arg1, %mul3A : i32
    %add3A = arith.addi %mul3A_0, %arg0 : i32
    %mul3A_1 = arith.constant 13392 : i32
    %mul3A_2 = arith.muli %add3A, %mul3A_1 : i32
    "tpu.region"() ({
      %run_scoped3A = tpu.sem_alloc : memref<!tpu.dma_semaphore, #tpu.memory_space<semaphore_mem>>
      tpu.enqueue_dma source(%arg2 : memref<24064xi32, #tpu.memory_space<hbm>>) target(%arg4 : memref<24064xi32, #tpu.memory_space<vmem>>) target_semaphore(%run_scoped3A : memref<!tpu.dma_semaphore, #tpu.memory_space<semaphore_mem>>)
      tpu.wait_dma2 semaphore(%run_scoped3A : memref<!tpu.dma_semaphore, #tpu.memory_space<semaphore_mem>>) src(%arg2 : memref<24064xi32, #tpu.memory_space<hbm>>) dst(%arg4 : memref<24064xi32, #tpu.memory_space<vmem>>)
      tpu.yield
    }) : () -> ()
    %iota3A = tpu.iota {dimensions = array<i32: 0>} : vector<16xi32>
    %broadcast_in_dim3A = arith.constant -1 : i32
    %broadcast_in_dim3A_3 = vector.broadcast %broadcast_in_dim3A : i32 to vector<16xi32>
    %scan3A = arith.constant 0 : i32
    %scan3A_4 = arith.constant 0 : i32
    %scan3A_5 = arith.constant 841 : i32
    %scan3A_6 = arith.addi %scan3A_4, %scan3A_5 : i32
    %scan3A_7 = arith.constant 1 : i32
    %scan3A_8 = scf.for %scan3A_17 = %scan3A_4 to %scan3A_6 step %scan3A_7 iter_args(%scan3A_18 = %scan3A) -> (i32)  : i32 {
      %mul3A_19 = arith.constant 16 : i32
      %mul3A_20 = arith.muli %scan3A_17, %mul3A_19 : i32
      %swap3A = arith.index_cast %mul3A_20 : i32 to index
      %swap3A_21 = tpu.vector_load %arg5[%swap3A] {strides = array<i32>} : memref<13456xi32, #tpu.memory_space<vmem>>, vector<16xi32>,
      tpu.vector_store %arg5[%swap3A], %broadcast_in_dim3A_3 {strides = array<i32>} : memref<13456xi32, #tpu.memory_space<vmem>>, vector<16xi32>,
      %scan3A_22 = arith.constant 0 : i32
      scf.yield %scan3A_22 : i32
    }
    %scan3A_9 = arith.constant 841 : i32
    %scan3A_10 = arith.constant 0 : i32
    %scan3A_11 = arith.constant 0 : i32
    %scan3A_12 = arith.constant 1504 : i32
    %scan3A_13 = arith.addi %scan3A_11, %scan3A_12 : i32
    %scan3A_14 = arith.constant 1 : i32
    %scan3A_15 = scf.for %scan3A_17 = %scan3A_11 to %scan3A_13 step %scan3A_14 iter_args(%scan3A_18 = %scan3A_10) -> (i32)  : i32 {
      %mul3A_19 = arith.constant 16 : i32
      %mul3A_20 = arith.muli %scan3A_17, %mul3A_19 : i32
      %get3A = arith.index_cast %mul3A_20 : i32 to index
      %get3A_21 = tpu.vector_load %arg4[%get3A] {strides = array<i32>} : memref<24064xi32, #tpu.memory_space<vmem>>, vector<16xi32>,
      %mul3A_22 = arith.constant 16 : i32
      %mul3A_23 = arith.muli %scan3A_17, %mul3A_22 : i32
      %add3A_24 = vector.broadcast %mul3A_23 : i32 to vector<16xi32>
      %add3A_25 = arith.addi %iota3A, %add3A_24 : vector<16xi32>
      %ge3A = vector.broadcast %mul3A_2 : i32 to vector<16xi32>
      %ge3A_26 = arith.cmpi sge, %get3A_21, %ge3A : vector<16xi32>
      %add3A_27 = arith.constant 13392 : i32
      %add3A_28 = arith.addi %mul3A_2, %add3A_27 : i32
      %lt3A = vector.broadcast %add3A_28 : i32 to vector<16xi32>
      %lt3A_29 = arith.cmpi slt, %get3A_21, %lt3A : vector<16xi32>
      %and3A = arith.andi %ge3A_26, %lt3A_29 : vector<16xi1>
      %sub3A = vector.broadcast %mul3A_2 : i32 to vector<16xi32>
      %sub3A_30 = arith.subi %get3A_21, %sub3A : vector<16xi32>
      %add3A_31 = arith.constant 13392 : i32
      %add3A_32 = vector.broadcast %add3A_31 : i32 to vector<16xi32>
      %add3A_33 = arith.addi %add3A_32, %iota3A : vector<16xi32>
      %select_n3A = arith.select %and3A, %sub3A_30, %add3A_33 : vector<16xi1>, vector<16xi32>
      %eq3A = arith.constant 0 : i32
      %eq3A_34 = vector.broadcast %eq3A : i32 to vector<16xi32>
      %eq3A_35 = arith.cmpi eq, %iota3A, %eq3A_34 : vector<16xi32>
      %and3A_36 = arith.andi %and3A, %eq3A_35 : vector<16xi1>
      tpu.vector_store_idx %arg5[%select_n3A], %add3A_25 masked %and3A_36 : memref<13456xi32, #tpu.memory_space<vmem>>[vector<16xi32>], vector<16xi32>, vector<16xi1>
      %eq3A_37 = arith.constant 1 : i32
      %eq3A_38 = vector.broadcast %eq3A_37 : i32 to vector<16xi32>
      %eq3A_39 = arith.cmpi eq, %iota3A, %eq3A_38 : vector<16xi32>
      %and3A_40 = arith.andi %and3A, %eq3A_39 : vector<16xi1>
      tpu.vector_store_idx %arg5[%select_n3A], %add3A_25 masked %and3A_40 : memref<13456xi32, #tpu.memory_space<vmem>>[vector<16xi32>], vector<16xi32>, vector<16xi1>
      %eq3A_41 = arith.constant 2 : i32
      %eq3A_42 = vector.broadcast %eq3A_41 : i32 to vector<16xi32>
      %eq3A_43 = arith.cmpi eq, %iota3A, %eq3A_42 : vector<16xi32>
      %and3A_44 = arith.andi %and3A, %eq3A_43 : vector<16xi1>
      tpu.vector_store_idx %arg5[%select_n3A], %add3A_25 masked %and3A_44 : memref<13456xi32, #tpu.memory_space<vmem>>[vector<16xi32>], vector<16xi32>, vector<16xi1>
      %eq3A_45 = arith.constant 3 : i32
      %eq3A_46 = vector.broadcast %eq3A_45 : i32 to vector<16xi32>
      %eq3A_47 = arith.cmpi eq, %iota3A, %eq3A_46 : vector<16xi32>
      %and3A_48 = arith.andi %and3A, %eq3A_47 : vector<16xi1>
      tpu.vector_store_idx %arg5[%select_n3A], %add3A_25 masked %and3A_48 : memref<13456xi32, #tpu.memory_space<vmem>>[vector<16xi32>], vector<16xi32>, vector<16xi1>
      %eq3A_49 = arith.constant 4 : i32
      %eq3A_50 = vector.broadcast %eq3A_49 : i32 to vector<16xi32>
      %eq3A_51 = arith.cmpi eq, %iota3A, %eq3A_50 : vector<16xi32>
      %and3A_52 = arith.andi %and3A, %eq3A_51 : vector<16xi1>
      tpu.vector_store_idx %arg5[%select_n3A], %add3A_25 masked %and3A_52 : memref<13456xi32, #tpu.memory_space<vmem>>[vector<16xi32>], vector<16xi32>, vector<16xi1>
      %eq3A_53 = arith.constant 5 : i32
      %eq3A_54 = vector.broadcast %eq3A_53 : i32 to vector<16xi32>
      %eq3A_55 = arith.cmpi eq, %iota3A, %eq3A_54 : vector<16xi32>
      %and3A_56 = arith.andi %and3A, %eq3A_55 : vector<16xi1>
      tpu.vector_store_idx %arg5[%select_n3A], %add3A_25 masked %and3A_56 : memref<13456xi32, #tpu.memory_space<vmem>>[vector<16xi32>], vector<16xi32>, vector<16xi1>
      %eq3A_57 = arith.constant 6 : i32
      %eq3A_58 = vector.broadcast %eq3A_57 : i32 to vector<16xi32>
      %eq3A_59 = arith.cmpi eq, %iota3A, %eq3A_58 : vector<16xi32>
      %and3A_60 = arith.andi %and3A, %eq3A_59 : vector<16xi1>
      tpu.vector_store_idx %arg5[%select_n3A], %add3A_25 masked %and3A_60 : memref<13456xi32, #tpu.memory_space<vmem>>[vector<16xi32>], vector<16xi32>, vector<16xi1>
      %eq3A_61 = arith.constant 7 : i32
      %eq3A_62 = vector.broadcast %eq3A_61 : i32 to vector<16xi32>
      %eq3A_63 = arith.cmpi eq, %iota3A, %eq3A_62 : vector<16xi32>
      %and3A_64 = arith.andi %and3A, %eq3A_63 : vector<16xi1>
      tpu.vector_store_idx %arg5[%select_n3A], %add3A_25 masked %and3A_64 : memref<13456xi32, #tpu.memory_space<vmem>>[vector<16xi32>], vector<16xi32>, vector<16xi1>
      %eq3A_65 = arith.constant 8 : i32
      %eq3A_66 = vector.broadcast %eq3A_65 : i32 to vector<16xi32>
      %eq3A_67 = arith.cmpi eq, %iota3A, %eq3A_66 : vector<16xi32>
      %and3A_68 = arith.andi %and3A, %eq3A_67 : vector<16xi1>
      tpu.vector_store_idx %arg5[%select_n3A], %add3A_25 masked %and3A_68 : memref<13456xi32, #tpu.memory_space<vmem>>[vector<16xi32>], vector<16xi32>, vector<16xi1>
      %eq3A_69 = arith.constant 9 : i32
      %eq3A_70 = vector.broadcast %eq3A_69 : i32 to vector<16xi32>
      %eq3A_71 = arith.cmpi eq, %iota3A, %eq3A_70 : vector<16xi32>
      %and3A_72 = arith.andi %and3A, %eq3A_71 : vector<16xi1>
      tpu.vector_store_idx %arg5[%select_n3A], %add3A_25 masked %and3A_72 : memref<13456xi32, #tpu.memory_space<vmem>>[vector<16xi32>], vector<16xi32>, vector<16xi1>
      %eq3A_73 = arith.constant 10 : i32
      %eq3A_74 = vector.broadcast %eq3A_73 : i32 to vector<16xi32>
      %eq3A_75 = arith.cmpi eq, %iota3A, %eq3A_74 : vector<16xi32>
      %and3A_76 = arith.andi %and3A, %eq3A_75 : vector<16xi1>
      tpu.vector_store_idx %arg5[%select_n3A], %add3A_25 masked %and3A_76 : memref<13456xi32, #tpu.memory_space<vmem>>[vector<16xi32>], vector<16xi32>, vector<16xi1>
      %eq3A_77 = arith.constant 11 : i32
      %eq3A_78 = vector.broadcast %eq3A_77 : i32 to vector<16xi32>
      %eq3A_79 = arith.cmpi eq, %iota3A, %eq3A_78 : vector<16xi32>
      %and3A_80 = arith.andi %and3A, %eq3A_79 : vector<16xi1>
      tpu.vector_store_idx %arg5[%select_n3A], %add3A_25 masked %and3A_80 : memref<13456xi32, #tpu.memory_space<vmem>>[vector<16xi32>], vector<16xi32>, vector<16xi1>
      %eq3A_81 = arith.constant 12 : i32
      %eq3A_82 = vector.broadcast %eq3A_81 : i32 to vector<16xi32>
      %eq3A_83 = arith.cmpi eq, %iota3A, %eq3A_82 : vector<16xi32>
      %and3A_84 = arith.andi %and3A, %eq3A_83 : vector<16xi1>
      tpu.vector_store_idx %arg5[%select_n3A], %add3A_25 masked %and3A_84 : memref<13456xi32, #tpu.memory_space<vmem>>[vector<16xi32>], vector<16xi32>, vector<16xi1>
      %eq3A_85 = arith.constant 13 : i32
      %eq3A_86 = vector.broadcast %eq3A_85 : i32 to vector<16xi32>
      %eq3A_87 = arith.cmpi eq, %iota3A, %eq3A_86 : vector<16xi32>
      %and3A_88 = arith.andi %and3A, %eq3A_87 : vector<16xi1>
      tpu.vector_store_idx %arg5[%select_n3A], %add3A_25 masked %and3A_88 : memref<13456xi32, #tpu.memory_space<vmem>>[vector<16xi32>], vector<16xi32>, vector<16xi1>
      %eq3A_89 = arith.constant 14 : i32
      %eq3A_90 = vector.broadcast %eq3A_89 : i32 to vector<16xi32>
      %eq3A_91 = arith.cmpi eq, %iota3A, %eq3A_90 : vector<16xi32>
      %and3A_92 = arith.andi %and3A, %eq3A_91 : vector<16xi1>
      tpu.vector_store_idx %arg5[%select_n3A], %add3A_25 masked %and3A_92 : memref<13456xi32, #tpu.memory_space<vmem>>[vector<16xi32>], vector<16xi32>, vector<16xi1>
      %eq3A_93 = arith.constant 15 : i32
      %eq3A_94 = vector.broadcast %eq3A_93 : i32 to vector<16xi32>
      %eq3A_95 = arith.cmpi eq, %iota3A, %eq3A_94 : vector<16xi32>
      %and3A_96 = arith.andi %and3A, %eq3A_95 : vector<16xi1>
      tpu.vector_store_idx %arg5[%select_n3A], %add3A_25 masked %and3A_96 : memref<13456xi32, #tpu.memory_space<vmem>>[vector<16xi32>], vector<16xi32>, vector<16xi1>
      %scan3A_97 = arith.constant 0 : i32
      scf.yield %scan3A_97 : i32
    }
    %scan3A_16 = arith.constant 1504 : i32
    "tpu.region"() ({
      %run_scoped3A = tpu.sem_alloc : memref<!tpu.dma_semaphore, #tpu.memory_space<semaphore_mem>>
      %dma_start3A = arith.constant 0 : i32
      %dma_start3A_17 = tpu.memref_slice %arg5[%dma_start3A] : memref<13456xi32, #tpu.memory_space<vmem>> -> memref<13440xi32, #tpu.memory_space<vmem>>
      %dma_start3A_18 = arith.constant 0 : i32
      %dma_start3A_19 = tpu.memref_slice %arg3[%add3A, %dma_start3A_18] : memref<32x13440xi32, #tpu.memory_space<hbm>> -> memref<1x13440xi32, #tpu.memory_space<hbm>>
      %dma_start3A_20 = tpu.memref_squeeze %dma_start3A_19 : memref<1x13440xi32, #tpu.memory_space<hbm>> -> memref<13440xi32, #tpu.memory_space<hbm>>
      %dma_start3A_21 = arith.constant 0 : i32
      %dma_start3A_22 = tpu.memref_slice %arg3[%add3A, %dma_start3A_21] : memref<32x13440xi32, #tpu.memory_space<hbm>> -> memref<1x13440xi32, #tpu.memory_space<hbm>>
      %dma_start3A_23 = tpu.memref_squeeze %dma_start3A_22 : memref<1x13440xi32, #tpu.memory_space<hbm>> -> memref<13440xi32, #tpu.memory_space<hbm>>
      %dma_start3A_24 = arith.constant 0 : i32
      %dma_start3A_25 = tpu.memref_slice %arg5[%dma_start3A_24] : memref<13456xi32, #tpu.memory_space<vmem>> -> memref<13440xi32, #tpu.memory_space<vmem>>
      tpu.enqueue_dma source(%dma_start3A_25 : memref<13440xi32, #tpu.memory_space<vmem>>) target(%dma_start3A_23 : memref<13440xi32, #tpu.memory_space<hbm>>) target_semaphore(%run_scoped3A : memref<!tpu.dma_semaphore, #tpu.memory_space<semaphore_mem>>)
      %dma_wait3A = arith.constant 0 : i32
      %dma_wait3A_26 = tpu.memref_slice %arg5[%dma_wait3A] : memref<13456xi32, #tpu.memory_space<vmem>> -> memref<13440xi32, #tpu.memory_space<vmem>>
      %dma_wait3A_27 = arith.constant 0 : i32
      %dma_wait3A_28 = tpu.memref_slice %arg3[%add3A, %dma_wait3A_27] : memref<32x13440xi32, #tpu.memory_space<hbm>> -> memref<1x13440xi32, #tpu.memory_space<hbm>>
      %dma_wait3A_29 = tpu.memref_squeeze %dma_wait3A_28 : memref<1x13440xi32, #tpu.memory_space<hbm>> -> memref<13440xi32, #tpu.memory_space<hbm>>
      %dma_wait3A_30 = arith.constant 0 : i32
      %dma_wait3A_31 = tpu.memref_slice %arg3[%add3A, %dma_wait3A_30] : memref<32x13440xi32, #tpu.memory_space<hbm>> -> memref<1x13440xi32, #tpu.memory_space<hbm>>
      %dma_wait3A_32 = tpu.memref_squeeze %dma_wait3A_31 : memref<1x13440xi32, #tpu.memory_space<hbm>> -> memref<13440xi32, #tpu.memory_space<hbm>>
      %dma_wait3A_33 = arith.constant 0 : i32
      %dma_wait3A_34 = tpu.memref_slice %arg5[%dma_wait3A_33] : memref<13456xi32, #tpu.memory_space<vmem>> -> memref<13440xi32, #tpu.memory_space<vmem>>
      tpu.wait_dma2 semaphore(%run_scoped3A : memref<!tpu.dma_semaphore, #tpu.memory_space<semaphore_mem>>) src(%dma_wait3A_34 : memref<13440xi32, #tpu.memory_space<vmem>>) dst(%dma_wait3A_32 : memref<13440xi32, #tpu.memory_space<hbm>>)
      tpu.yield
    }) : () -> ()
    return
  }
}

module attributes {stable_mosaic.version = 14 : i64} {
  func.func @_pfn_body(%arg0: i32, %arg1: i32, %arg2: memref<1x9x8x12000xf32, #tpu.memory_space<vmem>>, %arg3: memref<9x128xf32, #tpu.memory_space<vmem>>, %arg4: memref<1x128xf32, #tpu.memory_space<vmem>>, %arg5: memref<1x128xf32, #tpu.memory_space<vmem>>, %arg6: memref<1x12000x128xf32, #tpu.memory_space<vmem>>, %arg7: memref<12000x128xf32, #tpu.memory_space<vmem>>, %arg8: memref<9x9xf32, #tpu.memory_space<vmem>>, %arg9: memref<1x9xf32, #tpu.memory_space<vmem>>) attributes {dimension_semantics = [#tpu.dimension_semantics<arbitrary>, #tpu.dimension_semantics<arbitrary>], iteration_bounds = array<i64: 2, 4>, scalar_prefetch = 0 : i64, scratch_operands = 3 : i64, tpu.core_type = #tpu.core_type<tc>, window_params = [{transform_indices = @transform_0, window_bounds = array<i64: 1, 9, 8, 12000>}, {pipeline_mode = #tpu.pipeline_mode<synchronous>, transform_indices = @transform_1, window_bounds = array<i64: 9, 128>}, {pipeline_mode = #tpu.pipeline_mode<synchronous>, transform_indices = @transform_2, window_bounds = array<i64: 1, 128>}, {pipeline_mode = #tpu.pipeline_mode<synchronous>, transform_indices = @transform_3, window_bounds = array<i64: 1, 128>}, {transform_indices = @transform_4, window_bounds = array<i64: 1, 12000, 128>}]} {
    %get3A = arith.constant 0 : index
    %get3A_0 = arith.constant 0 : index
    %get3A_1 = vector.load %arg3[%get3A, %get3A_0] : memref<9x128xf32, #tpu.memory_space<vmem>>, vector<9x128xf32>
    %get3A_2 = arith.constant 0 : index
    %get3A_3 = arith.constant 0 : index
    %get3A_4 = arith.constant 0 : index
    %get3A_5 = arith.constant 0 : index
    %get3A_6 = vector.load %arg2[%get3A_2, %get3A_3, %get3A_4, %get3A_5] : memref<1x9x8x12000xf32, #tpu.memory_space<vmem>>, vector<1x9x8x12000xf32>
    %get3A_7 = vector.shape_cast %get3A_6 : vector<1x9x8x12000xf32> to vector<9x8x12000xf32>
    %slice3A = vector.extract_strided_slice %get3A_7 {offsets = [0, 0, 0], sizes = [9, 1, 12000], strides = [1, 1, 1]} : vector<9x8x12000xf32> to vector<9x1x12000xf32>
    %squeeze3A = vector.shape_cast %slice3A : vector<9x1x12000xf32> to vector<9x12000xf32>
    %dot_general3A = arith.constant dense<0.000000e+00> : vector<12000x128xf32>
    %dot_general3A_8 = tpu.matmul %squeeze3A, %get3A_1, %dot_general3A {dimension_numbers = #tpu.dot_dimension_numbers<[0], [0], [1], [1], [0, 1, 1, 1], [], []>, transpose_lhs_hint = false} : vector<9x12000xf32>, vector<9x128xf32>, vector<12000x128xf32> -> vector<12000x128xf32>
    %slice3A_9 = vector.extract_strided_slice %get3A_7 {offsets = [0, 1, 0], sizes = [9, 1, 12000], strides = [1, 1, 1]} : vector<9x8x12000xf32> to vector<9x1x12000xf32>
    %squeeze3A_10 = vector.shape_cast %slice3A_9 : vector<9x1x12000xf32> to vector<9x12000xf32>
    %dot_general3A_11 = arith.constant dense<0.000000e+00> : vector<12000x128xf32>
    %dot_general3A_12 = tpu.matmul %squeeze3A_10, %get3A_1, %dot_general3A_11 {dimension_numbers = #tpu.dot_dimension_numbers<[0], [0], [1], [1], [0, 1, 1, 1], [], []>, transpose_lhs_hint = false} : vector<9x12000xf32>, vector<9x128xf32>, vector<12000x128xf32> -> vector<12000x128xf32>
    %slice3A_13 = vector.extract_strided_slice %get3A_7 {offsets = [0, 2, 0], sizes = [9, 1, 12000], strides = [1, 1, 1]} : vector<9x8x12000xf32> to vector<9x1x12000xf32>
    %squeeze3A_14 = vector.shape_cast %slice3A_13 : vector<9x1x12000xf32> to vector<9x12000xf32>
    %dot_general3A_15 = arith.constant dense<0.000000e+00> : vector<12000x128xf32>
    %dot_general3A_16 = tpu.matmul %squeeze3A_14, %get3A_1, %dot_general3A_15 {dimension_numbers = #tpu.dot_dimension_numbers<[0], [0], [1], [1], [0, 1, 1, 1], [], []>, transpose_lhs_hint = false} : vector<9x12000xf32>, vector<9x128xf32>, vector<12000x128xf32> -> vector<12000x128xf32>
    %slice3A_17 = vector.extract_strided_slice %get3A_7 {offsets = [0, 3, 0], sizes = [9, 1, 12000], strides = [1, 1, 1]} : vector<9x8x12000xf32> to vector<9x1x12000xf32>
    %squeeze3A_18 = vector.shape_cast %slice3A_17 : vector<9x1x12000xf32> to vector<9x12000xf32>
    %dot_general3A_19 = arith.constant dense<0.000000e+00> : vector<12000x128xf32>
    %dot_general3A_20 = tpu.matmul %squeeze3A_18, %get3A_1, %dot_general3A_19 {dimension_numbers = #tpu.dot_dimension_numbers<[0], [0], [1], [1], [0, 1, 1, 1], [], []>, transpose_lhs_hint = false} : vector<9x12000xf32>, vector<9x128xf32>, vector<12000x128xf32> -> vector<12000x128xf32>
    %slice3A_21 = vector.extract_strided_slice %get3A_7 {offsets = [0, 4, 0], sizes = [9, 1, 12000], strides = [1, 1, 1]} : vector<9x8x12000xf32> to vector<9x1x12000xf32>
    %squeeze3A_22 = vector.shape_cast %slice3A_21 : vector<9x1x12000xf32> to vector<9x12000xf32>
    %dot_general3A_23 = arith.constant dense<0.000000e+00> : vector<12000x128xf32>
    %dot_general3A_24 = tpu.matmul %squeeze3A_22, %get3A_1, %dot_general3A_23 {dimension_numbers = #tpu.dot_dimension_numbers<[0], [0], [1], [1], [0, 1, 1, 1], [], []>, transpose_lhs_hint = false} : vector<9x12000xf32>, vector<9x128xf32>, vector<12000x128xf32> -> vector<12000x128xf32>
    %slice3A_25 = vector.extract_strided_slice %get3A_7 {offsets = [0, 5, 0], sizes = [9, 1, 12000], strides = [1, 1, 1]} : vector<9x8x12000xf32> to vector<9x1x12000xf32>
    %squeeze3A_26 = vector.shape_cast %slice3A_25 : vector<9x1x12000xf32> to vector<9x12000xf32>
    %dot_general3A_27 = arith.constant dense<0.000000e+00> : vector<12000x128xf32>
    %dot_general3A_28 = tpu.matmul %squeeze3A_26, %get3A_1, %dot_general3A_27 {dimension_numbers = #tpu.dot_dimension_numbers<[0], [0], [1], [1], [0, 1, 1, 1], [], []>, transpose_lhs_hint = false} : vector<9x12000xf32>, vector<9x128xf32>, vector<12000x128xf32> -> vector<12000x128xf32>
    %slice3A_29 = vector.extract_strided_slice %get3A_7 {offsets = [0, 6, 0], sizes = [9, 1, 12000], strides = [1, 1, 1]} : vector<9x8x12000xf32> to vector<9x1x12000xf32>
    %squeeze3A_30 = vector.shape_cast %slice3A_29 : vector<9x1x12000xf32> to vector<9x12000xf32>
    %dot_general3A_31 = arith.constant dense<0.000000e+00> : vector<12000x128xf32>
    %dot_general3A_32 = tpu.matmul %squeeze3A_30, %get3A_1, %dot_general3A_31 {dimension_numbers = #tpu.dot_dimension_numbers<[0], [0], [1], [1], [0, 1, 1, 1], [], []>, transpose_lhs_hint = false} : vector<9x12000xf32>, vector<9x128xf32>, vector<12000x128xf32> -> vector<12000x128xf32>
    %slice3A_33 = vector.extract_strided_slice %get3A_7 {offsets = [0, 7, 0], sizes = [9, 1, 12000], strides = [1, 1, 1]} : vector<9x8x12000xf32> to vector<9x1x12000xf32>
    %squeeze3A_34 = vector.shape_cast %slice3A_33 : vector<9x1x12000xf32> to vector<9x12000xf32>
    %dot_general3A_35 = arith.constant dense<0.000000e+00> : vector<12000x128xf32>
    %dot_general3A_36 = tpu.matmul %squeeze3A_34, %get3A_1, %dot_general3A_35 {dimension_numbers = #tpu.dot_dimension_numbers<[0], [0], [1], [1], [0, 1, 1, 1], [], []>, transpose_lhs_hint = false} : vector<9x12000xf32>, vector<9x128xf32>, vector<12000x128xf32> -> vector<12000x128xf32>
    %max3A = arith.maximumf %dot_general3A_8, %dot_general3A_12 : vector<12000x128xf32>
    %max3A_37 = arith.maximumf %dot_general3A_16, %dot_general3A_20 : vector<12000x128xf32>
    %max3A_38 = arith.maximumf %dot_general3A_24, %dot_general3A_28 : vector<12000x128xf32>
    %max3A_39 = arith.maximumf %dot_general3A_32, %dot_general3A_36 : vector<12000x128xf32>
    %max3A_40 = arith.maximumf %max3A, %max3A_37 : vector<12000x128xf32>
    %max3A_41 = arith.maximumf %max3A_38, %max3A_39 : vector<12000x128xf32>
    %max3A_42 = arith.maximumf %max3A_40, %max3A_41 : vector<12000x128xf32>
    %reshape3A = vector.shape_cast %get3A_7 : vector<9x8x12000xf32> to vector<72x12000xf32>
    %dot_general3A_43 = arith.constant dense<0.000000e+00> : vector<72x72xf32>
    %dot_general3A_44 = tpu.matmul %reshape3A, %reshape3A, %dot_general3A_43 {dimension_numbers = #tpu.dot_dimension_numbers<[1], [1], [0], [0], [0, 0, 1, 0], [], []>, transpose_lhs_hint = false} : vector<72x12000xf32>, vector<72x12000xf32>, vector<72x72xf32> -> vector<72x72xf32>
    %broadcast_in_dim3A = arith.constant 1.000000e+00 : f32
    %broadcast_in_dim3A_45 = vector.broadcast %broadcast_in_dim3A : f32 to vector<1x12000xf32>
    %dot_general3A_46 = arith.constant dense<0.000000e+00> : vector<1x72xf32>
    %dot_general3A_47 = tpu.matmul %broadcast_in_dim3A_45, %reshape3A, %dot_general3A_46 {dimension_numbers = #tpu.dot_dimension_numbers<[1], [1], [0], [0], [0, 0, 1, 0], [], []>, transpose_lhs_hint = false} : vector<1x12000xf32>, vector<72x12000xf32>, vector<1x72xf32> -> vector<1x72xf32>
    %iota3A = tpu.iota {dimensions = array<i32: 0>} : vector<72x1xi32>
    %jit3A = arith.constant 8 : i32
    %div3A = vector.broadcast %jit3A : i32 to vector<72x1xi32>
    %div3A_48 = arith.divsi %iota3A, %div3A : vector<72x1xi32>
    %sign3A = arith.constant 0 : i32
    %sign3A_49 = vector.broadcast %sign3A : i32 to vector<72x1xi32>
    %sign3A_50 = arith.cmpi sgt, %iota3A, %sign3A_49 : vector<72x1xi32>
    %sign3A_51 = arith.extui %sign3A_50 : vector<72x1xi1> to vector<72x1xi32>
    %sign3A_52 = arith.constant 0 : i32
    %sign3A_53 = vector.broadcast %sign3A_52 : i32 to vector<72x1xi32>
    %sign3A_54 = arith.cmpi slt, %iota3A, %sign3A_53 : vector<72x1xi32>
    %sign3A_55 = arith.extui %sign3A_54 : vector<72x1xi1> to vector<72x1xi32>
    %sign3A_56 = arith.subi %sign3A_51, %sign3A_55 : vector<72x1xi32>
    %sign3A_57 = arith.constant 0 : i32
    %sign3A_58 = arith.cmpi sgt, %jit3A, %sign3A_57 : i32
    %sign3A_59 = arith.extui %sign3A_58 : i1 to i32
    %sign3A_60 = arith.constant 0 : i32
    %sign3A_61 = arith.cmpi slt, %jit3A, %sign3A_60 : i32
    %sign3A_62 = arith.extui %sign3A_61 : i1 to i32
    %sign3A_63 = arith.subi %sign3A_59, %sign3A_62 : i32
    %ne3A = vector.broadcast %sign3A_63 : i32 to vector<72x1xi32>
    %ne3A_64 = arith.cmpi ne, %sign3A_56, %ne3A : vector<72x1xi32>
    %rem3A = vector.broadcast %jit3A : i32 to vector<72x1xi32>
    %rem3A_65 = arith.remsi %iota3A, %rem3A : vector<72x1xi32>
    %ne3A_66 = arith.constant 0 : i32
    %ne3A_67 = vector.broadcast %ne3A_66 : i32 to vector<72x1xi32>
    %ne3A_68 = arith.cmpi ne, %rem3A_65, %ne3A_67 : vector<72x1xi32>
    %and3A = arith.andi %ne3A_64, %ne3A_68 : vector<72x1xi1>
    %sub3A = arith.constant 1 : i32
    %sub3A_69 = vector.broadcast %sub3A : i32 to vector<72x1xi32>
    %sub3A_70 = arith.subi %div3A_48, %sub3A_69 : vector<72x1xi32>
    %select_n3A = arith.select %and3A, %sub3A_70, %div3A_48 : vector<72x1xi1>, vector<72x1xi32>
    %iota3A_71 = tpu.iota {dimensions = array<i32: 1>} : vector<1x9xi32>
    %eq3A = vector.broadcast %select_n3A : vector<72x1xi32> to vector<72x9xi32>
    %eq3A_72 = vector.broadcast %iota3A_71 : vector<1x9xi32> to vector<72x9xi32>
    %eq3A_73 = arith.cmpi eq, %eq3A, %eq3A_72 : vector<72x9xi32>
    %convert_element_type3A = arith.extui %eq3A_73 : vector<72x9xi1> to vector<72x9xi32>
    %convert_element_type3A_74 = arith.sitofp %convert_element_type3A : vector<72x9xi32> to vector<72x9xf32>
    %jit3A_75 = arith.constant 8 : i32
    %eq3A_76 = arith.constant 0 : i32
    %eq3A_77 = arith.cmpi eq, %jit3A_75, %eq3A_76 : i32
    %jit3A_78 = arith.constant 1 : i32
    %select_n3A_79 = arith.select %eq3A_77, %jit3A_78, %jit3A_75 : i32
    %rem3A_80 = vector.broadcast %select_n3A_79 : i32 to vector<72x1xi32>
    %rem3A_81 = arith.remsi %iota3A, %rem3A_80 : vector<72x1xi32>
    %ne3A_82 = arith.constant 0 : i32
    %ne3A_83 = vector.broadcast %ne3A_82 : i32 to vector<72x1xi32>
    %ne3A_84 = arith.cmpi ne, %rem3A_81, %ne3A_83 : vector<72x1xi32>
    %lt3A = arith.constant 0 : i32
    %lt3A_85 = vector.broadcast %lt3A : i32 to vector<72x1xi32>
    %lt3A_86 = arith.cmpi slt, %rem3A_81, %lt3A_85 : vector<72x1xi32>
    %lt3A_87 = arith.constant 0 : i32
    %lt3A_88 = arith.cmpi slt, %select_n3A_79, %lt3A_87 : i32
    %ne3A_89 = vector.broadcast %lt3A_88 : i1 to vector<72x1xi1>
    %ne3A_90 = vector.broadcast %ne3A_89 : vector<72x1xi1> to vector<72x1xi1>
    %ne3A_91 = arith.xori %lt3A_86, %ne3A_90 : vector<72x1xi1>
    %and3A_92 = arith.andi %ne3A_91, %ne3A_84 : vector<72x1xi1>
    %add3A = vector.broadcast %select_n3A_79 : i32 to vector<72x1xi32>
    %add3A_93 = arith.addi %rem3A_81, %add3A : vector<72x1xi32>
    %select_n3A_94 = arith.select %and3A_92, %add3A_93, %rem3A_81 : vector<72x1xi1>, vector<72x1xi32>
    %iota3A_95 = tpu.iota {dimensions = array<i32: 1>} : vector<1x72xi32>
    %jit3A_96 = arith.constant 8 : i32
    %eq3A_97 = arith.constant 0 : i32
    %eq3A_98 = arith.cmpi eq, %jit3A_96, %eq3A_97 : i32
    %jit3A_99 = arith.constant 1 : i32
    %select_n3A_100 = arith.select %eq3A_98, %jit3A_99, %jit3A_96 : i32
    %rem3A_101 = vector.broadcast %select_n3A_100 : i32 to vector<1x72xi32>
    %rem3A_102 = arith.remsi %iota3A_95, %rem3A_101 : vector<1x72xi32>
    %ne3A_103 = arith.constant 0 : i32
    %ne3A_104 = vector.broadcast %ne3A_103 : i32 to vector<1x72xi32>
    %ne3A_105 = arith.cmpi ne, %rem3A_102, %ne3A_104 : vector<1x72xi32>
    %lt3A_106 = arith.constant 0 : i32
    %lt3A_107 = vector.broadcast %lt3A_106 : i32 to vector<1x72xi32>
    %lt3A_108 = arith.cmpi slt, %rem3A_102, %lt3A_107 : vector<1x72xi32>
    %lt3A_109 = arith.constant 0 : i32
    %lt3A_110 = arith.cmpi slt, %select_n3A_100, %lt3A_109 : i32
    %ne3A_111 = vector.broadcast %lt3A_110 : i1 to vector<1x72xi1>
    %ne3A_112 = vector.broadcast %ne3A_111 : vector<1x72xi1> to vector<1x72xi1>
    %ne3A_113 = arith.xori %lt3A_108, %ne3A_112 : vector<1x72xi1>
    %and3A_114 = arith.andi %ne3A_113, %ne3A_105 : vector<1x72xi1>
    %add3A_115 = vector.broadcast %select_n3A_100 : i32 to vector<1x72xi32>
    %add3A_116 = arith.addi %rem3A_102, %add3A_115 : vector<1x72xi32>
    %select_n3A_117 = arith.select %and3A_114, %add3A_116, %rem3A_102 : vector<1x72xi1>, vector<1x72xi32>
    %eq3A_118 = vector.broadcast %select_n3A_94 : vector<72x1xi32> to vector<72x72xi32>
    %eq3A_119 = vector.broadcast %select_n3A_117 : vector<1x72xi32> to vector<72x72xi32>
    %eq3A_120 = arith.cmpi eq, %eq3A_118, %eq3A_119 : vector<72x72xi32>
    %convert_element_type3A_121 = arith.extui %eq3A_120 : vector<72x72xi1> to vector<72x72xi32>
    %convert_element_type3A_122 = arith.sitofp %convert_element_type3A_121 : vector<72x72xi32> to vector<72x72xf32>
    %mul3A = arith.mulf %dot_general3A_44, %convert_element_type3A_122 : vector<72x72xf32>
    %dot_general3A_123 = arith.constant dense<0.000000e+00> : vector<72x9xf32>
    %dot_general3A_124 = tpu.matmul %mul3A, %convert_element_type3A_74, %dot_general3A_123 {dimension_numbers = #tpu.dot_dimension_numbers<[1], [0], [0], [1], [0, 0, 1, 1], [], []>, transpose_lhs_hint = false} : vector<72x72xf32>, vector<72x9xf32>, vector<72x9xf32> -> vector<72x9xf32>
    %dot_general3A_125 = arith.constant dense<0.000000e+00> : vector<9x9xf32>
    %dot_general3A_126 = tpu.matmul %dot_general3A_124, %convert_element_type3A_74, %dot_general3A_125 {dimension_numbers = #tpu.dot_dimension_numbers<[0], [0], [1], [1], [0, 1, 1, 1], [], []>, transpose_lhs_hint = false} : vector<72x9xf32>, vector<72x9xf32>, vector<9x9xf32> -> vector<9x9xf32>
    %dot_general3A_127 = arith.constant dense<0.000000e+00> : vector<1x9xf32>
    %dot_general3A_128 = tpu.matmul %dot_general3A_47, %convert_element_type3A_74, %dot_general3A_127 {dimension_numbers = #tpu.dot_dimension_numbers<[1], [0], [0], [1], [0, 0, 1, 1], [], []>, transpose_lhs_hint = false} : vector<1x72xf32>, vector<72x9xf32>, vector<1x9xf32> -> vector<1x9xf32>
    %eq3A_129 = arith.constant 0 : i32
    %eq3A_130 = arith.cmpi eq, %arg1, %eq3A_129 : i32
    %convert_element_type3A_131 = arith.extui %eq3A_130 : i1 to i32
    %cond3A = arith.constant 0 : i32
    %cond3A_132 = arith.cmpi ne, %convert_element_type3A_131, %cond3A : i32
    scf.if %cond3A_132 {
      %swap3A = arith.constant 0 : index
      %swap3A_142 = arith.constant 0 : index
      %swap3A_143 = vector.load %arg7[%swap3A, %swap3A_142] : memref<12000x128xf32, #tpu.memory_space<vmem>>, vector<12000x128xf32>
      tpu.vector_store %arg7[%swap3A, %swap3A_142], %max3A_42 {strides = array<i32>} : memref<12000x128xf32, #tpu.memory_space<vmem>>, vector<12000x128xf32>,
      %swap3A_144 = arith.constant 0 : index
      %swap3A_145 = arith.constant 0 : index
      %swap3A_146 = vector.load %arg8[%swap3A_144, %swap3A_145] : memref<9x9xf32, #tpu.memory_space<vmem>>, vector<9x9xf32>
      tpu.vector_store %arg8[%swap3A_144, %swap3A_145], %dot_general3A_126 {strides = array<i32>} : memref<9x9xf32, #tpu.memory_space<vmem>>, vector<9x9xf32>,
      %swap3A_147 = arith.constant 0 : index
      %swap3A_148 = arith.constant 0 : index
      %swap3A_149 = vector.load %arg9[%swap3A_147, %swap3A_148] : memref<1x9xf32, #tpu.memory_space<vmem>>, vector<1x9xf32>
      tpu.vector_store %arg9[%swap3A_147, %swap3A_148], %dot_general3A_128 {strides = array<i32>} : memref<1x9xf32, #tpu.memory_space<vmem>>, vector<1x9xf32>,
    } else {
    }
    %gt3A = arith.constant 0 : i32
    %gt3A_133 = arith.cmpi sgt, %arg1, %gt3A : i32
    %convert_element_type3A_134 = arith.extui %gt3A_133 : i1 to i32
    %cond3A_135 = arith.constant 0 : i32
    %cond3A_136 = arith.cmpi ne, %convert_element_type3A_134, %cond3A_135 : i32
    scf.if %cond3A_136 {
      %get3A_142 = arith.constant 0 : index
      %get3A_143 = arith.constant 0 : index
      %get3A_144 = vector.load %arg7[%get3A_142, %get3A_143] : memref<12000x128xf32, #tpu.memory_space<vmem>>, vector<12000x128xf32>
      %max3A_145 = arith.maximumf %get3A_144, %max3A_42 : vector<12000x128xf32>
      %swap3A = arith.constant 0 : index
      %swap3A_146 = arith.constant 0 : index
      %swap3A_147 = vector.load %arg7[%swap3A, %swap3A_146] : memref<12000x128xf32, #tpu.memory_space<vmem>>, vector<12000x128xf32>
      tpu.vector_store %arg7[%swap3A, %swap3A_146], %max3A_145 {strides = array<i32>} : memref<12000x128xf32, #tpu.memory_space<vmem>>, vector<12000x128xf32>,
      %get3A_148 = arith.constant 0 : index
      %get3A_149 = arith.constant 0 : index
      %get3A_150 = vector.load %arg8[%get3A_148, %get3A_149] : memref<9x9xf32, #tpu.memory_space<vmem>>, vector<9x9xf32>
      %add3A_151 = arith.addf %get3A_150, %dot_general3A_126 : vector<9x9xf32>
      %swap3A_152 = arith.constant 0 : index
      %swap3A_153 = arith.constant 0 : index
      %swap3A_154 = vector.load %arg8[%swap3A_152, %swap3A_153] : memref<9x9xf32, #tpu.memory_space<vmem>>, vector<9x9xf32>
      tpu.vector_store %arg8[%swap3A_152, %swap3A_153], %add3A_151 {strides = array<i32>} : memref<9x9xf32, #tpu.memory_space<vmem>>, vector<9x9xf32>,
      %get3A_155 = arith.constant 0 : index
      %get3A_156 = arith.constant 0 : index
      %get3A_157 = vector.load %arg9[%get3A_155, %get3A_156] : memref<1x9xf32, #tpu.memory_space<vmem>>, vector<1x9xf32>
      %add3A_158 = arith.addf %get3A_157, %dot_general3A_128 : vector<1x9xf32>
      %swap3A_159 = arith.constant 0 : index
      %swap3A_160 = arith.constant 0 : index
      %swap3A_161 = vector.load %arg9[%swap3A_159, %swap3A_160] : memref<1x9xf32, #tpu.memory_space<vmem>>, vector<1x9xf32>
      tpu.vector_store %arg9[%swap3A_159, %swap3A_160], %add3A_158 {strides = array<i32>} : memref<1x9xf32, #tpu.memory_space<vmem>>, vector<1x9xf32>,
    } else {
    }
    %eq3A_137 = arith.constant 3 : i32
    %eq3A_138 = arith.cmpi eq, %arg1, %eq3A_137 : i32
    %convert_element_type3A_139 = arith.extui %eq3A_138 : i1 to i32
    %cond3A_140 = arith.constant 0 : i32
    %cond3A_141 = arith.cmpi ne, %convert_element_type3A_139, %cond3A_140 : i32
    scf.if %cond3A_141 {
      %get3A_142 = arith.constant 0 : index
      %get3A_143 = arith.constant 0 : index
      %get3A_144 = vector.load %arg9[%get3A_142, %get3A_143] : memref<1x9xf32, #tpu.memory_space<vmem>>, vector<1x9xf32>
      %div3A_145 = arith.constant 3.840000e+05 : f32
      %div3A_146 = vector.broadcast %div3A_145 : f32 to vector<1x9xf32>
      %div3A_147 = arith.divf %get3A_144, %div3A_146 : vector<1x9xf32>
      %dot_general3A_148 = arith.constant dense<0.000000e+00> : vector<1x128xf32>
      %dot_general3A_149 = tpu.matmul %div3A_147, %get3A_1, %dot_general3A_148 {dimension_numbers = #tpu.dot_dimension_numbers<[1], [0], [0], [1], [0, 0, 1, 1], [], []>, transpose_lhs_hint = false} : vector<1x9xf32>, vector<9x128xf32>, vector<1x128xf32> -> vector<1x128xf32>
      %get3A_150 = arith.constant 0 : index
      %get3A_151 = arith.constant 0 : index
      %get3A_152 = vector.load %arg8[%get3A_150, %get3A_151] : memref<9x9xf32, #tpu.memory_space<vmem>>, vector<9x9xf32>
      %div3A_153 = arith.constant 3.840000e+05 : f32
      %div3A_154 = vector.broadcast %div3A_153 : f32 to vector<9x9xf32>
      %div3A_155 = arith.divf %get3A_152, %div3A_154 : vector<9x9xf32>
      %dot_general3A_156 = arith.constant dense<0.000000e+00> : vector<9x128xf32>
      %dot_general3A_157 = tpu.matmul %div3A_155, %get3A_1, %dot_general3A_156 {dimension_numbers = #tpu.dot_dimension_numbers<[1], [0], [0], [1], [0, 0, 1, 1], [], []>, transpose_lhs_hint = false} : vector<9x9xf32>, vector<9x128xf32>, vector<9x128xf32> -> vector<9x128xf32>
      %mul3A_158 = arith.mulf %dot_general3A_157, %get3A_1 : vector<9x128xf32>
      %reduce_sum3A = arith.constant dense<0.000000e+00> : vector<128xf32>
      %reduce_sum3A_159 = vector.multi_reduction <add>, %mul3A_158, %reduce_sum3A [0] : vector<9x128xf32> to vector<128xf32>
      %broadcast_in_dim3A_160 = vector.shape_cast %reduce_sum3A_159 : vector<128xf32> to vector<1x128xf32>
      %mul3A_161 = arith.mulf %dot_general3A_149, %dot_general3A_149 : vector<1x128xf32>
      %sub3A_162 = arith.subf %broadcast_in_dim3A_160, %mul3A_161 : vector<1x128xf32>
      %get3A_163 = arith.constant 0 : index
      %get3A_164 = arith.constant 0 : index
      %get3A_165 = vector.load %arg4[%get3A_163, %get3A_164] : memref<1x128xf32, #tpu.memory_space<vmem>>, vector<1x128xf32>
      %add3A_166 = arith.constant 1.000000e-03 : f32
      %add3A_167 = vector.broadcast %add3A_166 : f32 to vector<1x128xf32>
      %add3A_168 = arith.addf %sub3A_162, %add3A_167 : vector<1x128xf32>
      %rsqrt3A = math.rsqrt %add3A_168 : vector<1x128xf32>
      %mul3A_169 = arith.mulf %get3A_165, %rsqrt3A : vector<1x128xf32>
      %get3A_170 = arith.constant 0 : index
      %get3A_171 = arith.constant 0 : index
      %get3A_172 = vector.load %arg5[%get3A_170, %get3A_171] : memref<1x128xf32, #tpu.memory_space<vmem>>, vector<1x128xf32>
      %mul3A_173 = arith.mulf %dot_general3A_149, %mul3A_169 : vector<1x128xf32>
      %sub3A_174 = arith.subf %get3A_172, %mul3A_173 : vector<1x128xf32>
      %get3A_175 = arith.constant 0 : index
      %get3A_176 = arith.constant 0 : index
      %get3A_177 = vector.load %arg7[%get3A_175, %get3A_176] : memref<12000x128xf32, #tpu.memory_space<vmem>>, vector<12000x128xf32>
      %mul3A_178 = vector.broadcast %mul3A_169 : vector<1x128xf32> to vector<12000x128xf32>
      %mul3A_179 = arith.mulf %get3A_177, %mul3A_178 : vector<12000x128xf32>
      %add3A_180 = vector.broadcast %sub3A_174 : vector<1x128xf32> to vector<12000x128xf32>
      %add3A_181 = arith.addf %mul3A_179, %add3A_180 : vector<12000x128xf32>
      %max3A_182 = arith.constant 0.000000e+00 : f32
      %max3A_183 = vector.broadcast %max3A_182 : f32 to vector<12000x128xf32>
      %max3A_184 = arith.maximumf %add3A_181, %max3A_183 : vector<12000x128xf32>
      %swap3A = arith.constant 0 : index
      %swap3A_185 = arith.constant 0 : index
      %swap3A_186 = arith.constant 0 : index
      %swap3A_187 = vector.load %arg6[%swap3A, %swap3A_185, %swap3A_186] : memref<1x12000x128xf32, #tpu.memory_space<vmem>>, vector<1x12000x128xf32>
      %swap3A_188 = vector.shape_cast %swap3A_187 : vector<1x12000x128xf32> to vector<12000x128xf32>
      %swap3A_189 = vector.shape_cast %max3A_184 : vector<12000x128xf32> to vector<1x12000x128xf32>
      tpu.vector_store %arg6[%swap3A, %swap3A_185, %swap3A_186], %swap3A_189 {strides = array<i32>} : memref<1x12000x128xf32, #tpu.memory_space<vmem>>, vector<1x12000x128xf32>,
    } else {
    }
    return
  }
  func.func @transform_0(%arg0: i32, %arg1: i32) -> (i32, i32, i32, i32) {
    %c0_i32 = arith.constant 0 : i32
    %c0_i32_0 = arith.constant 0 : i32
    %c0_i32_1 = arith.constant 0 : i32
    return %arg0, %c0_i32, %arg1, %c0_i32_0 : i32, i32, i32, i32
  }
  func.func @transform_1(%arg0: i32, %arg1: i32) -> (i32, i32) {
    %c0_i32 = arith.constant 0 : i32
    %c0_i32_0 = arith.constant 0 : i32
    %c0_i32_1 = arith.constant 0 : i32
    return %c0_i32, %c0_i32_0 : i32, i32
  }
  func.func @transform_2(%arg0: i32, %arg1: i32) -> (i32, i32) {
    %c0_i32 = arith.constant 0 : i32
    %c0_i32_0 = arith.constant 0 : i32
    %c0_i32_1 = arith.constant 0 : i32
    return %c0_i32, %c0_i32_0 : i32, i32
  }
  func.func @transform_3(%arg0: i32, %arg1: i32) -> (i32, i32) {
    %c0_i32 = arith.constant 0 : i32
    %c0_i32_0 = arith.constant 0 : i32
    %c0_i32_1 = arith.constant 0 : i32
    return %c0_i32, %c0_i32_0 : i32, i32
  }
  func.func @transform_4(%arg0: i32, %arg1: i32) -> (i32, i32, i32) {
    %c0_i32 = arith.constant 0 : i32
    %c0_i32_0 = arith.constant 0 : i32
    %c0_i32_1 = arith.constant 0 : i32
    return %arg0, %c0_i32, %c0_i32_0 : i32, i32, i32
  }
}

module attributes {stable_mosaic.version = 14 : i64} {
  func.func @_emit_body(%arg0: i32, %arg1: i32, %arg2: memref<3968x128xf32, #tpu.memory_space<vmem>>, %arg3: memref<1x1x3968xi32, #tpu.memory_space<vmem>>, %arg4: memref<1x64x8x496xf32, #tpu.memory_space<vmem>>) attributes {dimension_semantics = [#tpu.dimension_semantics<arbitrary>, #tpu.dimension_semantics<arbitrary>], iteration_bounds = array<i64: 2, 54>, scalar_prefetch = 0 : i64, scratch_operands = 0 : i64, tpu.core_type = #tpu.core_type<tc>, window_params = [{transform_indices = @transform_0, window_bounds = array<i64: 3968, 128>}, {transform_indices = @transform_1, window_bounds = array<i64: 1, 1, 3968>}, {transform_indices = @transform_2, window_bounds = array<i64: 1, 64, 8, 496>}]} {
    %get3A = arith.constant 0 : index
    %get3A_0 = arith.constant 0 : index
    %get3A_1 = vector.load %arg2[%get3A, %get3A_0] : memref<3968x128xf32, #tpu.memory_space<vmem>>, vector<496x64xf32>
    %get3A_2 = arith.constant 0 : index
    %get3A_3 = arith.constant 0 : index
    %get3A_4 = arith.constant 0 : index
    %get3A_5 = vector.load %arg3[%get3A_2, %get3A_3, %get3A_4] : memref<1x1x3968xi32, #tpu.memory_space<vmem>>, vector<1x1x496xi32>
    %get3A_6 = vector.shape_cast %get3A_5 : vector<1x1x496xi32> to vector<496xi32>
    %ge3A = arith.constant 0 : i32
    %ge3A_7 = vector.broadcast %ge3A : i32 to vector<496xi32>
    %ge3A_8 = arith.cmpi sge, %get3A_6, %ge3A_7 : vector<496xi32>
    %broadcast_in_dim3A = vector.shape_cast %ge3A_8 : vector<496xi1> to vector<1x496xi1>
    %transpose3A = tpu.transpose %get3A_1, [1, 0] : vector<496x64xf32> -> vector<64x496xf32>
    %jit3A = arith.constant 0.000000e+00 : f32
    %broadcast_in_dim3A_9 = vector.shape_cast %broadcast_in_dim3A : vector<1x496xi1> to vector<1x496xi1>
    %broadcast_in_dim3A_10 = vector.broadcast %broadcast_in_dim3A_9 : vector<1x496xi1> to vector<64x496xi1>
    %broadcast_in_dim3A_11 = vector.broadcast %jit3A : f32 to vector<64x496xf32>
    %select_n3A = arith.select %broadcast_in_dim3A_10, %transpose3A, %broadcast_in_dim3A_11 : vector<64x496xi1>, vector<64x496xf32>
    %swap3A = arith.constant 0 : index
    %swap3A_12 = arith.constant 0 : index
    %swap3A_13 = arith.constant 0 : index
    %swap3A_14 = arith.constant 0 : index
    %swap3A_15 = vector.load %arg4[%swap3A, %swap3A_12, %swap3A_13, %swap3A_14] : memref<1x64x8x496xf32, #tpu.memory_space<vmem>>, vector<1x64x1x496xf32>
    %swap3A_16 = vector.shape_cast %swap3A_15 : vector<1x64x1x496xf32> to vector<64x496xf32>
    %swap3A_17 = vector.shape_cast %select_n3A : vector<64x496xf32> to vector<1x64x1x496xf32>
    tpu.vector_store %arg4[%swap3A, %swap3A_12, %swap3A_13, %swap3A_14], %swap3A_17 {strides = array<i32>} : memref<1x64x8x496xf32, #tpu.memory_space<vmem>>, vector<1x64x1x496xf32>,
    %get3A_18 = arith.constant 496 : index
    %get3A_19 = arith.constant 0 : index
    %get3A_20 = vector.load %arg2[%get3A_18, %get3A_19] : memref<3968x128xf32, #tpu.memory_space<vmem>>, vector<496x64xf32>
    %get3A_21 = arith.constant 0 : index
    %get3A_22 = arith.constant 0 : index
    %get3A_23 = arith.constant 496 : index
    %get3A_24 = vector.load %arg3[%get3A_21, %get3A_22, %get3A_23] : memref<1x1x3968xi32, #tpu.memory_space<vmem>>, vector<1x1x496xi32>
    %get3A_25 = vector.shape_cast %get3A_24 : vector<1x1x496xi32> to vector<496xi32>
    %ge3A_26 = arith.constant 0 : i32
    %ge3A_27 = vector.broadcast %ge3A_26 : i32 to vector<496xi32>
    %ge3A_28 = arith.cmpi sge, %get3A_25, %ge3A_27 : vector<496xi32>
    %broadcast_in_dim3A_29 = vector.shape_cast %ge3A_28 : vector<496xi1> to vector<1x496xi1>
    %transpose3A_30 = tpu.transpose %get3A_20, [1, 0] : vector<496x64xf32> -> vector<64x496xf32>
    %jit3A_31 = arith.constant 0.000000e+00 : f32
    %broadcast_in_dim3A_32 = vector.shape_cast %broadcast_in_dim3A_29 : vector<1x496xi1> to vector<1x496xi1>
    %broadcast_in_dim3A_33 = vector.broadcast %broadcast_in_dim3A_32 : vector<1x496xi1> to vector<64x496xi1>
    %broadcast_in_dim3A_34 = vector.broadcast %jit3A_31 : f32 to vector<64x496xf32>
    %select_n3A_35 = arith.select %broadcast_in_dim3A_33, %transpose3A_30, %broadcast_in_dim3A_34 : vector<64x496xi1>, vector<64x496xf32>
    %swap3A_36 = arith.constant 0 : index
    %swap3A_37 = arith.constant 0 : index
    %swap3A_38 = arith.constant 1 : index
    %swap3A_39 = arith.constant 0 : index
    %swap3A_40 = vector.load %arg4[%swap3A_36, %swap3A_37, %swap3A_38, %swap3A_39] : memref<1x64x8x496xf32, #tpu.memory_space<vmem>>, vector<1x64x1x496xf32>
    %swap3A_41 = vector.shape_cast %swap3A_40 : vector<1x64x1x496xf32> to vector<64x496xf32>
    %swap3A_42 = vector.shape_cast %select_n3A_35 : vector<64x496xf32> to vector<1x64x1x496xf32>
    tpu.vector_store %arg4[%swap3A_36, %swap3A_37, %swap3A_38, %swap3A_39], %swap3A_42 {strides = array<i32>} : memref<1x64x8x496xf32, #tpu.memory_space<vmem>>, vector<1x64x1x496xf32>,
    %get3A_43 = arith.constant 992 : index
    %get3A_44 = arith.constant 0 : index
    %get3A_45 = vector.load %arg2[%get3A_43, %get3A_44] : memref<3968x128xf32, #tpu.memory_space<vmem>>, vector<496x64xf32>
    %get3A_46 = arith.constant 0 : index
    %get3A_47 = arith.constant 0 : index
    %get3A_48 = arith.constant 992 : index
    %get3A_49 = vector.load %arg3[%get3A_46, %get3A_47, %get3A_48] : memref<1x1x3968xi32, #tpu.memory_space<vmem>>, vector<1x1x496xi32>
    %get3A_50 = vector.shape_cast %get3A_49 : vector<1x1x496xi32> to vector<496xi32>
    %ge3A_51 = arith.constant 0 : i32
    %ge3A_52 = vector.broadcast %ge3A_51 : i32 to vector<496xi32>
    %ge3A_53 = arith.cmpi sge, %get3A_50, %ge3A_52 : vector<496xi32>
    %broadcast_in_dim3A_54 = vector.shape_cast %ge3A_53 : vector<496xi1> to vector<1x496xi1>
    %transpose3A_55 = tpu.transpose %get3A_45, [1, 0] : vector<496x64xf32> -> vector<64x496xf32>
    %jit3A_56 = arith.constant 0.000000e+00 : f32
    %broadcast_in_dim3A_57 = vector.shape_cast %broadcast_in_dim3A_54 : vector<1x496xi1> to vector<1x496xi1>
    %broadcast_in_dim3A_58 = vector.broadcast %broadcast_in_dim3A_57 : vector<1x496xi1> to vector<64x496xi1>
    %broadcast_in_dim3A_59 = vector.broadcast %jit3A_56 : f32 to vector<64x496xf32>
    %select_n3A_60 = arith.select %broadcast_in_dim3A_58, %transpose3A_55, %broadcast_in_dim3A_59 : vector<64x496xi1>, vector<64x496xf32>
    %swap3A_61 = arith.constant 0 : index
    %swap3A_62 = arith.constant 0 : index
    %swap3A_63 = arith.constant 2 : index
    %swap3A_64 = arith.constant 0 : index
    %swap3A_65 = vector.load %arg4[%swap3A_61, %swap3A_62, %swap3A_63, %swap3A_64] : memref<1x64x8x496xf32, #tpu.memory_space<vmem>>, vector<1x64x1x496xf32>
    %swap3A_66 = vector.shape_cast %swap3A_65 : vector<1x64x1x496xf32> to vector<64x496xf32>
    %swap3A_67 = vector.shape_cast %select_n3A_60 : vector<64x496xf32> to vector<1x64x1x496xf32>
    tpu.vector_store %arg4[%swap3A_61, %swap3A_62, %swap3A_63, %swap3A_64], %swap3A_67 {strides = array<i32>} : memref<1x64x8x496xf32, #tpu.memory_space<vmem>>, vector<1x64x1x496xf32>,
    %get3A_68 = arith.constant 1488 : index
    %get3A_69 = arith.constant 0 : index
    %get3A_70 = vector.load %arg2[%get3A_68, %get3A_69] : memref<3968x128xf32, #tpu.memory_space<vmem>>, vector<496x64xf32>
    %get3A_71 = arith.constant 0 : index
    %get3A_72 = arith.constant 0 : index
    %get3A_73 = arith.constant 1488 : index
    %get3A_74 = vector.load %arg3[%get3A_71, %get3A_72, %get3A_73] : memref<1x1x3968xi32, #tpu.memory_space<vmem>>, vector<1x1x496xi32>
    %get3A_75 = vector.shape_cast %get3A_74 : vector<1x1x496xi32> to vector<496xi32>
    %ge3A_76 = arith.constant 0 : i32
    %ge3A_77 = vector.broadcast %ge3A_76 : i32 to vector<496xi32>
    %ge3A_78 = arith.cmpi sge, %get3A_75, %ge3A_77 : vector<496xi32>
    %broadcast_in_dim3A_79 = vector.shape_cast %ge3A_78 : vector<496xi1> to vector<1x496xi1>
    %transpose3A_80 = tpu.transpose %get3A_70, [1, 0] : vector<496x64xf32> -> vector<64x496xf32>
    %jit3A_81 = arith.constant 0.000000e+00 : f32
    %broadcast_in_dim3A_82 = vector.shape_cast %broadcast_in_dim3A_79 : vector<1x496xi1> to vector<1x496xi1>
    %broadcast_in_dim3A_83 = vector.broadcast %broadcast_in_dim3A_82 : vector<1x496xi1> to vector<64x496xi1>
    %broadcast_in_dim3A_84 = vector.broadcast %jit3A_81 : f32 to vector<64x496xf32>
    %select_n3A_85 = arith.select %broadcast_in_dim3A_83, %transpose3A_80, %broadcast_in_dim3A_84 : vector<64x496xi1>, vector<64x496xf32>
    %swap3A_86 = arith.constant 0 : index
    %swap3A_87 = arith.constant 0 : index
    %swap3A_88 = arith.constant 3 : index
    %swap3A_89 = arith.constant 0 : index
    %swap3A_90 = vector.load %arg4[%swap3A_86, %swap3A_87, %swap3A_88, %swap3A_89] : memref<1x64x8x496xf32, #tpu.memory_space<vmem>>, vector<1x64x1x496xf32>
    %swap3A_91 = vector.shape_cast %swap3A_90 : vector<1x64x1x496xf32> to vector<64x496xf32>
    %swap3A_92 = vector.shape_cast %select_n3A_85 : vector<64x496xf32> to vector<1x64x1x496xf32>
    tpu.vector_store %arg4[%swap3A_86, %swap3A_87, %swap3A_88, %swap3A_89], %swap3A_92 {strides = array<i32>} : memref<1x64x8x496xf32, #tpu.memory_space<vmem>>, vector<1x64x1x496xf32>,
    %get3A_93 = arith.constant 1984 : index
    %get3A_94 = arith.constant 0 : index
    %get3A_95 = vector.load %arg2[%get3A_93, %get3A_94] : memref<3968x128xf32, #tpu.memory_space<vmem>>, vector<496x64xf32>
    %get3A_96 = arith.constant 0 : index
    %get3A_97 = arith.constant 0 : index
    %get3A_98 = arith.constant 1984 : index
    %get3A_99 = vector.load %arg3[%get3A_96, %get3A_97, %get3A_98] : memref<1x1x3968xi32, #tpu.memory_space<vmem>>, vector<1x1x496xi32>
    %get3A_100 = vector.shape_cast %get3A_99 : vector<1x1x496xi32> to vector<496xi32>
    %ge3A_101 = arith.constant 0 : i32
    %ge3A_102 = vector.broadcast %ge3A_101 : i32 to vector<496xi32>
    %ge3A_103 = arith.cmpi sge, %get3A_100, %ge3A_102 : vector<496xi32>
    %broadcast_in_dim3A_104 = vector.shape_cast %ge3A_103 : vector<496xi1> to vector<1x496xi1>
    %transpose3A_105 = tpu.transpose %get3A_95, [1, 0] : vector<496x64xf32> -> vector<64x496xf32>
    %jit3A_106 = arith.constant 0.000000e+00 : f32
    %broadcast_in_dim3A_107 = vector.shape_cast %broadcast_in_dim3A_104 : vector<1x496xi1> to vector<1x496xi1>
    %broadcast_in_dim3A_108 = vector.broadcast %broadcast_in_dim3A_107 : vector<1x496xi1> to vector<64x496xi1>
    %broadcast_in_dim3A_109 = vector.broadcast %jit3A_106 : f32 to vector<64x496xf32>
    %select_n3A_110 = arith.select %broadcast_in_dim3A_108, %transpose3A_105, %broadcast_in_dim3A_109 : vector<64x496xi1>, vector<64x496xf32>
    %swap3A_111 = arith.constant 0 : index
    %swap3A_112 = arith.constant 0 : index
    %swap3A_113 = arith.constant 4 : index
    %swap3A_114 = arith.constant 0 : index
    %swap3A_115 = vector.load %arg4[%swap3A_111, %swap3A_112, %swap3A_113, %swap3A_114] : memref<1x64x8x496xf32, #tpu.memory_space<vmem>>, vector<1x64x1x496xf32>
    %swap3A_116 = vector.shape_cast %swap3A_115 : vector<1x64x1x496xf32> to vector<64x496xf32>
    %swap3A_117 = vector.shape_cast %select_n3A_110 : vector<64x496xf32> to vector<1x64x1x496xf32>
    tpu.vector_store %arg4[%swap3A_111, %swap3A_112, %swap3A_113, %swap3A_114], %swap3A_117 {strides = array<i32>} : memref<1x64x8x496xf32, #tpu.memory_space<vmem>>, vector<1x64x1x496xf32>,
    %get3A_118 = arith.constant 2480 : index
    %get3A_119 = arith.constant 0 : index
    %get3A_120 = vector.load %arg2[%get3A_118, %get3A_119] : memref<3968x128xf32, #tpu.memory_space<vmem>>, vector<496x64xf32>
    %get3A_121 = arith.constant 0 : index
    %get3A_122 = arith.constant 0 : index
    %get3A_123 = arith.constant 2480 : index
    %get3A_124 = vector.load %arg3[%get3A_121, %get3A_122, %get3A_123] : memref<1x1x3968xi32, #tpu.memory_space<vmem>>, vector<1x1x496xi32>
    %get3A_125 = vector.shape_cast %get3A_124 : vector<1x1x496xi32> to vector<496xi32>
    %ge3A_126 = arith.constant 0 : i32
    %ge3A_127 = vector.broadcast %ge3A_126 : i32 to vector<496xi32>
    %ge3A_128 = arith.cmpi sge, %get3A_125, %ge3A_127 : vector<496xi32>
    %broadcast_in_dim3A_129 = vector.shape_cast %ge3A_128 : vector<496xi1> to vector<1x496xi1>
    %transpose3A_130 = tpu.transpose %get3A_120, [1, 0] : vector<496x64xf32> -> vector<64x496xf32>
    %jit3A_131 = arith.constant 0.000000e+00 : f32
    %broadcast_in_dim3A_132 = vector.shape_cast %broadcast_in_dim3A_129 : vector<1x496xi1> to vector<1x496xi1>
    %broadcast_in_dim3A_133 = vector.broadcast %broadcast_in_dim3A_132 : vector<1x496xi1> to vector<64x496xi1>
    %broadcast_in_dim3A_134 = vector.broadcast %jit3A_131 : f32 to vector<64x496xf32>
    %select_n3A_135 = arith.select %broadcast_in_dim3A_133, %transpose3A_130, %broadcast_in_dim3A_134 : vector<64x496xi1>, vector<64x496xf32>
    %swap3A_136 = arith.constant 0 : index
    %swap3A_137 = arith.constant 0 : index
    %swap3A_138 = arith.constant 5 : index
    %swap3A_139 = arith.constant 0 : index
    %swap3A_140 = vector.load %arg4[%swap3A_136, %swap3A_137, %swap3A_138, %swap3A_139] : memref<1x64x8x496xf32, #tpu.memory_space<vmem>>, vector<1x64x1x496xf32>
    %swap3A_141 = vector.shape_cast %swap3A_140 : vector<1x64x1x496xf32> to vector<64x496xf32>
    %swap3A_142 = vector.shape_cast %select_n3A_135 : vector<64x496xf32> to vector<1x64x1x496xf32>
    tpu.vector_store %arg4[%swap3A_136, %swap3A_137, %swap3A_138, %swap3A_139], %swap3A_142 {strides = array<i32>} : memref<1x64x8x496xf32, #tpu.memory_space<vmem>>, vector<1x64x1x496xf32>,
    %get3A_143 = arith.constant 2976 : index
    %get3A_144 = arith.constant 0 : index
    %get3A_145 = vector.load %arg2[%get3A_143, %get3A_144] : memref<3968x128xf32, #tpu.memory_space<vmem>>, vector<496x64xf32>
    %get3A_146 = arith.constant 0 : index
    %get3A_147 = arith.constant 0 : index
    %get3A_148 = arith.constant 2976 : index
    %get3A_149 = vector.load %arg3[%get3A_146, %get3A_147, %get3A_148] : memref<1x1x3968xi32, #tpu.memory_space<vmem>>, vector<1x1x496xi32>
    %get3A_150 = vector.shape_cast %get3A_149 : vector<1x1x496xi32> to vector<496xi32>
    %ge3A_151 = arith.constant 0 : i32
    %ge3A_152 = vector.broadcast %ge3A_151 : i32 to vector<496xi32>
    %ge3A_153 = arith.cmpi sge, %get3A_150, %ge3A_152 : vector<496xi32>
    %broadcast_in_dim3A_154 = vector.shape_cast %ge3A_153 : vector<496xi1> to vector<1x496xi1>
    %transpose3A_155 = tpu.transpose %get3A_145, [1, 0] : vector<496x64xf32> -> vector<64x496xf32>
    %jit3A_156 = arith.constant 0.000000e+00 : f32
    %broadcast_in_dim3A_157 = vector.shape_cast %broadcast_in_dim3A_154 : vector<1x496xi1> to vector<1x496xi1>
    %broadcast_in_dim3A_158 = vector.broadcast %broadcast_in_dim3A_157 : vector<1x496xi1> to vector<64x496xi1>
    %broadcast_in_dim3A_159 = vector.broadcast %jit3A_156 : f32 to vector<64x496xf32>
    %select_n3A_160 = arith.select %broadcast_in_dim3A_158, %transpose3A_155, %broadcast_in_dim3A_159 : vector<64x496xi1>, vector<64x496xf32>
    %swap3A_161 = arith.constant 0 : index
    %swap3A_162 = arith.constant 0 : index
    %swap3A_163 = arith.constant 6 : index
    %swap3A_164 = arith.constant 0 : index
    %swap3A_165 = vector.load %arg4[%swap3A_161, %swap3A_162, %swap3A_163, %swap3A_164] : memref<1x64x8x496xf32, #tpu.memory_space<vmem>>, vector<1x64x1x496xf32>
    %swap3A_166 = vector.shape_cast %swap3A_165 : vector<1x64x1x496xf32> to vector<64x496xf32>
    %swap3A_167 = vector.shape_cast %select_n3A_160 : vector<64x496xf32> to vector<1x64x1x496xf32>
    tpu.vector_store %arg4[%swap3A_161, %swap3A_162, %swap3A_163, %swap3A_164], %swap3A_167 {strides = array<i32>} : memref<1x64x8x496xf32, #tpu.memory_space<vmem>>, vector<1x64x1x496xf32>,
    %get3A_168 = arith.constant 3472 : index
    %get3A_169 = arith.constant 0 : index
    %get3A_170 = vector.load %arg2[%get3A_168, %get3A_169] : memref<3968x128xf32, #tpu.memory_space<vmem>>, vector<496x64xf32>
    %get3A_171 = arith.constant 0 : index
    %get3A_172 = arith.constant 0 : index
    %get3A_173 = arith.constant 3472 : index
    %get3A_174 = vector.load %arg3[%get3A_171, %get3A_172, %get3A_173] : memref<1x1x3968xi32, #tpu.memory_space<vmem>>, vector<1x1x496xi32>
    %get3A_175 = vector.shape_cast %get3A_174 : vector<1x1x496xi32> to vector<496xi32>
    %ge3A_176 = arith.constant 0 : i32
    %ge3A_177 = vector.broadcast %ge3A_176 : i32 to vector<496xi32>
    %ge3A_178 = arith.cmpi sge, %get3A_175, %ge3A_177 : vector<496xi32>
    %broadcast_in_dim3A_179 = vector.shape_cast %ge3A_178 : vector<496xi1> to vector<1x496xi1>
    %transpose3A_180 = tpu.transpose %get3A_170, [1, 0] : vector<496x64xf32> -> vector<64x496xf32>
    %jit3A_181 = arith.constant 0.000000e+00 : f32
    %broadcast_in_dim3A_182 = vector.shape_cast %broadcast_in_dim3A_179 : vector<1x496xi1> to vector<1x496xi1>
    %broadcast_in_dim3A_183 = vector.broadcast %broadcast_in_dim3A_182 : vector<1x496xi1> to vector<64x496xi1>
    %broadcast_in_dim3A_184 = vector.broadcast %jit3A_181 : f32 to vector<64x496xf32>
    %select_n3A_185 = arith.select %broadcast_in_dim3A_183, %transpose3A_180, %broadcast_in_dim3A_184 : vector<64x496xi1>, vector<64x496xf32>
    %swap3A_186 = arith.constant 0 : index
    %swap3A_187 = arith.constant 0 : index
    %swap3A_188 = arith.constant 7 : index
    %swap3A_189 = arith.constant 0 : index
    %swap3A_190 = vector.load %arg4[%swap3A_186, %swap3A_187, %swap3A_188, %swap3A_189] : memref<1x64x8x496xf32, #tpu.memory_space<vmem>>, vector<1x64x1x496xf32>
    %swap3A_191 = vector.shape_cast %swap3A_190 : vector<1x64x1x496xf32> to vector<64x496xf32>
    %swap3A_192 = vector.shape_cast %select_n3A_185 : vector<64x496xf32> to vector<1x64x1x496xf32>
    tpu.vector_store %arg4[%swap3A_186, %swap3A_187, %swap3A_188, %swap3A_189], %swap3A_192 {strides = array<i32>} : memref<1x64x8x496xf32, #tpu.memory_space<vmem>>, vector<1x64x1x496xf32>,
    return
  }
  func.func @transform_0(%arg0: i32, %arg1: i32) -> (i32, i32) {
    %mul3A = arith.constant 54 : i32
    %mul3A_0 = arith.muli %arg0, %mul3A : i32
    %add3A = arith.addi %mul3A_0, %arg1 : i32
    %c0_i32 = arith.constant 0 : i32
    %c0_i32_1 = arith.constant 0 : i32
    return %add3A, %c0_i32 : i32, i32
  }
  func.func @transform_1(%arg0: i32, %arg1: i32) -> (i32, i32, i32) {
    %mul3A = arith.constant 54 : i32
    %mul3A_0 = arith.muli %arg0, %mul3A : i32
    %add3A = arith.addi %mul3A_0, %arg1 : i32
    %c0_i32 = arith.constant 0 : i32
    %c0_i32_1 = arith.constant 0 : i32
    %c0_i32_2 = arith.constant 0 : i32
    return %add3A, %c0_i32, %c0_i32_1 : i32, i32, i32
  }
  func.func @transform_2(%arg0: i32, %arg1: i32) -> (i32, i32, i32, i32) {
    %c0_i32 = arith.constant 0 : i32
    %c0_i32_0 = arith.constant 0 : i32
    %c0_i32_1 = arith.constant 0 : i32
    return %arg0, %c0_i32, %arg1, %c0_i32_0 : i32, i32, i32, i32
  }
}

</mosaic_0001>

<sc_bundles>
// kernel: kernel.6.cloned.1.call-start
scs
__scs_entry_jumppad:
0x0: {  	(pc) =	sbr.rel $0x88, $3  }
0x1: {  	(tag) =	ssettag $0x0;
	lr =	simm.s32 $0x1  }
0x2: {  	[smem:$0x3F9C] =	sst lr;
	_ =	strace $0xD0000000  }
0x3: {  	_ = 	snop  }
0x4: {  	_ = 	snop  }
0x5: {  	_ = 	snop  }
0x6: {  	_ = 	snop  }
0x7: {  	_ = 	snop  }
__scs_overlays_trampoline_lowered:
0x8: {  	[smem:$0x3FAB] =	sst s0  }
0x9: {  	[smem:$0x3FAC] =	sst s1  }
0xa: {  	[smem:$0x3FAD] =	sst s2  }
0xb: {  	[smem:$0x3FAE] =	sst s3  }
0xc: {  	[smem:$0x3FAF] =	sst s4  }
0xd: {  	[smem:$0x3FB0] =	sst s5  }
0xe: {  	[smem:$0x3FB1] =	sst s6  }
0xf: {  	[smem:$0x3FB2] =	sst s7  }
0x10: {  	[smem:$0x3FB3] =	sst s8  }
0x11: {  	[smem:$0x3FB4] =	sst s9;
	s0 =	simm.s32 @!p0 $0x0  }
0x12: {  	s1 =	sld [smem:$0x3F9A];
	s0 =	simm.s32 @p0 $0x1  }
0x13: {  	[smem:$0x3FB5] =	sst s0;
	s0 =	simm.s32 @!p1 $0x0  }
0x14: {  	s2 =	sld [smem:$0x3F99];
	s0 =	simm.s32 @p1 $0x1  }
0x15: {  	[smem:$0x3FB6] =	sst s0;
	s0 =	simm.s32 @!p2 $0x0  }
0x16: {  	s3 =	sld [smem:$0x3FDB];
	s0 =	simm.s32 @p2 $0x1  }
0x17: {  	s4 =	simm.s32 $0x1BF5;
	[smem:$0x3FB8] =	sst s0  }
0x18: {  	s0 =	sld [smem:$0x3F9B];
	_ =	swait.ge [sflag:s4], $0x0  }
0x19: {  	s7 =	sld [smem:$0x3F9C]  }
0x1a: {  	s8 =	sadd.s32 $0xFFFFE003, lr  }
0x1b: {  	s9 =	sadd.s32 $0xFFFFFEF7, lr;
	s5 =	simm.s32 $0xFFFFFFFF;
	p2 =	slt.u32 s8, $0xFFFFF086  }
0x1c: {  	p1 =	slt.u32 s9, $0xF7A;
	s5 =	simm.s32 @!p2 $0x0  }
0x1d: {  	s5 =	simm.s32 @p1 $0x1;
	p0 =	seq.s32 s7, s2  }
0x1e: {  	s7 =	smul.u32 @!p0 $0xF7A, s2;
	p2 =	seq.s32 @!p0 s5, $0x0  }
0x1f: {  	s9 =	smul.u32 $0xF7A, s1;
	s8 =	simm.s32 @!p0 $0x1BF5;
	p2 =	por !p2, p0  }
0x20: {  	[sflag:s8] =	ssyncset.s32 @!p0 $0xFFFFF086;
	s6 =	sadd.s32 @!p0 s3, s7;
	s7 =	simm.s32 @!p0 $0x108  }
0x21: {  	s3 =	sadd.s32 s3, s9;
	s6 =	sadd.s32 @!p0 $0x88, s6;
	s7 =	simm.s32 @p2 $0x1082  }
0x22: {  	[simem:s7], [sflag:s8] =	dma.local @!p0 [hbm:s6], $0xF7A  }
0x23: {  	s9 =	sor.u32 $0xD0000000, s2;
	s6 =	simm.s32 $0x108;
	_ =	swait.ge @!p0 [sflag:s8], $0x0  }
0x24: {  	s3 =	sadd.s32 $0x88, s3;
	s6 =	simm.s32 @!p1 $0x1082;
	[sflag:s4] =	ssyncset.s32 $0xFFFFF086  }
0x25: {  	[simem:s6], [sflag:s4] =	dma.local [hbm:s3], $0xF7A  }
0x26: {  	[smem:$0x3F9C] =	sst s1;
	(tag) =	ssettag s2;
	_ =	strace s9  }
0x27: {  	s1 =	sld [smem:$0x3FAC]  }
0x28: {  	s2 =	sld [smem:$0x3FAD]  }
0x29: {  	s4 =	sld [smem:$0x3FAF]  }
0x2a: {  	p0 =	seq.s32 s5, $0x0;
	s5 =	sld [smem:$0x3FB0]  }
0x2b: {  	s6 =	sld [smem:$0x3FB1]  }
0x2c: {  	s7 =	sld [smem:$0x3FB2]  }
0x2d: {  	s3 =	simm.s32 $0x108;
	s8 =	sld [smem:$0x3FB3]  }
0x2e: {  	s3 =	simm.s32 @!p0 $0x1082;
	s9 =	sld [smem:$0x3FB4]  }
0x2f: {  	lr =	sadd.s32 s0, s3;
	s0 =	sld [smem:$0x3FAB]  }
0x30: {  	s3 =	sld [smem:$0x3FAE]  }
0x31: {  	[smem:$0x3FB7] =	sst s10  }
0x32: {  	s10 =	sld [smem:$0x3FB5];
	_ =	sdelay $0x3  }
0x33: {  	p0 =	seq.s32 s10, $0x1;
	s10 =	sld [smem:$0x3FB7];
	_ =	sdelay $0x3  }
0x34: {  	[smem:$0x3FB7] =	sst s10  }
0x35: {  	s10 =	sld [smem:$0x3FB6];
	_ =	sdelay $0x3  }
0x36: {  	p1 =	seq.s32 s10, $0x1;
	s10 =	sld [smem:$0x3FB7];
	_ =	sdelay $0x3  }
0x37: {  	[smem:$0x3FB7] =	sst s10  }
0x38: {  	s10 =	sld [smem:$0x3FB8]  }
0x39: {  	_ = 	snop;
	(pc) =	sbr.ind lr, $3  }
0x3a: {  	_ = 	snop  }
0x3b: {  	_ = 	snop  }
0x3c: {  	p2 =	seq.s32 s10, $0x1;
	s10 =	sld [smem:$0x3FB7]  }
0x3d: {  	_ =	shalt  }
0x3e: {  	_ =	shalt  }
0x3f: {  	_ =	shalt  }
0x40: {  	_ =	shalt  }
0x41: {  	_ =	shalt  }
0x42: {  	_ =	shalt  }
0x43: {  	_ =	shalt  }
0x44: {  	_ =	shalt  }
0x45: {  	_ =	shalt  }
0x46: {  	_ =	shalt  }
0x47: {  	_ =	shalt  }
0x48: {  	_ =	shalt  }
0x49: {  	_ =	shalt  }
0x4a: {  	_ =	shalt  }
0x4b: {  	_ =	shalt  }
0x4c: {  	_ =	shalt  }
0x4d: {  	_ =	shalt  }
0x4e: {  	_ =	shalt  }
0x4f: {  	_ =	shalt  }
0x50: {  	_ =	shalt  }
0x51: {  	_ =	shalt  }
0x52: {  	_ =	shalt  }
0x53: {  	_ =	shalt  }
0x54: {  	_ =	shalt  }
0x55: {  	_ =	shalt  }
0x56: {  	_ =	shalt  }
0x57: {  	_ =	shalt  }
0x58: {  	_ =	shalt  }
0x59: {  	_ =	shalt  }
0x5a: {  	_ =	shalt  }
0x5b: {  	_ =	shalt  }
0x5c: {  	_ =	shalt  }
0x5d: {  	_ =	shalt  }
0x5e: {  	_ =	shalt  }
0x5f: {  	_ =	shalt  }
0x60: {  	_ =	shalt  }
0x61: {  	_ =	shalt  }
0x62: {  	_ =	shalt  }
0x63: {  	_ =	shalt  }
0x64: {  	_ =	shalt  }
0x65: {  	_ =	shalt  }
0x66: {  	_ =	shalt  }
0x67: {  	_ =	shalt  }
0x68: {  	_ =	shalt  }
0x69: {  	_ =	shalt  }
0x6a: {  	_ =	shalt  }
0x6b: {  	_ =	shalt  }
0x6c: {  	_ =	shalt  }
0x6d: {  	_ =	shalt  }
0x6e: {  	_ =	shalt  }
0x6f: {  	_ =	shalt  }
0x70: {  	_ =	shalt  }
0x71: {  	_ =	shalt  }
0x72: {  	_ =	shalt  }
0x73: {  	_ =	shalt  }
0x74: {  	_ =	shalt  }
0x75: {  	_ =	shalt  }
0x76: {  	_ =	shalt  }
0x77: {  	_ =	shalt  }
0x78: {  	_ =	shalt  }
0x79: {  	_ =	shalt  }
0x7a: {  	_ =	shalt  }
0x7b: {  	_ =	shalt  }
0x7c: {  	_ =	shalt  }
0x7d: {  	_ =	shalt  }
0x7e: {  	_ =	shalt  }
0x7f: {  	_ =	shalt  }
0x80: {  	_ =	shalt  }
0x81: {  	_ =	shalt  }
0x82: {  	_ =	shalt  }
0x83: {  	_ =	shalt  }
0x84: {  	_ =	shalt  }
0x85: {  	_ =	shalt  }
0x86: {  	_ =	shalt  }
0x87: {  	_ =	shalt  }
.Lfunc_end0:
.L_simem_size_0:
called_computation_lowered:
.L_overlay_start_0:
0x88: {  	s2 =	sld [smem:$0x3FD9]  }
0x89: {  	s3 =	sld [smem:$0x3FFE];
	_ =	sdelay $0x1  }
0x8a: {  	s1 =	srdreg.scid  }
0x8b: {  	s0 =	sand.u32 $0x1, s1  }
0x8c: {  	s16 =	sshll.u32 s0, $0xA;
	s2 =	sadd.s32 s3, s2  }
0x8d: {  	s2 =	sadd.s32 s2, s16  }
0x8e: {  	[smem:$0x3FC3] =	sst s2  }
0x8f: {  	_ = 	snop  }
0x90: {  	(tm) =	ssettm $0x1  }
0x91: {  	s17 =	sld [smem:$0x3FFB];
	_ =	sdelay $0x3  }
0x92: {  	_ =	strace s17  }
0x93: {  	s2 =	sld [smem:$0x3FFC];
	_ =	sdelay $0x3  }
0x94: {  	_ =	strace s2  }
0x95: {  	s2 =	sld [smem:$0x3FFD];
	_ =	sdelay $0x3  }
0x96: {  	_ =	strace s2  }
0x97: {  	_ =	strace $0x8FFFFFFF  }
0x98: {  	s18 =	sld [smem:$0x3FDB];
	_ =	sdelay $0x1  }
0x99: {  	s19 =	simm.s32 $_scs_section_size  }
0x9a: {  	s4 =	simm.s32 $_size__tile_overlayer_lowered;
	s5 =	simm.s32 $_tile_overlayer_lowered  }
0x9b: {  	s22 =	simm.s32 $0x1BFF;
	s21 =	sshll.u32 s5, $0x1;
	s2 =	sadd.s32 s19, s18  }
0x9c: {  	s6 =	simm.s32 $0x0;
	s20 =	sshll.u32 s4, $0x1;
	s4 =	sadd.s32 s21, s2  }
0x9d: {  	[timem:s6], [sflag:s22] =	dma.local [hbm:s4], s20  }
0x9e: {  	_ =	swait.ge [sflag:s22], s20  }
0x9f: {  	s3 =	ssub.s32 $0x0, s20;
	[sflag:s22] =	ssyncset.done $0x0  }
0xa0: {  	[sflag:s22] =	ssyncadd.s32 s3;
	_ =	sdelay $0x1  }
0xa1: {  	s23 =	simm.s32 $0x1B8B  }
0xa2: {  	_ =	swait.ge [sflag:s23], $0x1  }
0xa3: {  	[sflag:s23] =	ssyncset.done $0x0  }
0xa4: {  	s25 =	simm.s32 $0x1B8E;
	s24 =	sld [smem:$0x3FFE];
	[sflag:s23] =	ssyncadd.s32 $0xFFFFFFFF  }
0xa5: {  	s26 =	simm.s32 $execute0_lowered;
	[smem:$0x3FD2] =	sst s25  }
0xa6: {  	s4 =	sshll.u32 s26, $0x1;
	_ =	strace $0x80000046;
	[dreg:$0x1] =	wrdreg $0xFFFFFFFF  }
0xa7: {  	s28 =	simm.s32 $_size_execute0_lowered;
	s2 =	sadd.s32 s2, s4;
	[dreg:$0x0] =	wrdreg $0x0  }
0xa8: {  	s4 =	sshll.u32 s28, $0x1;
	[dreg:$0x2] =	wrdreg s2  }
0xa9: {  	[dreg:$0x3] =	wrdreg s4  }
0xaa: {  	[dreg:$0x4] =	wrdreg $0xC0  }
0xab: {  	_ =	task [dreg:s6], $0x5FFFF  }
0xac: {  	[dreg:$0x1] =	wrdreg $0xFFFFFFFF  }
0xad: {  	[dreg:$0x0] =	wrdreg $0x60  }
0xae: {  	[dreg:$0x2] =	wrdreg s24  }
0xaf: {  	[dreg:$0x3] =	wrdreg $0x9  }
0xb0: {  	_ =	task.clear_ibuf [dreg:s6], $0x4FFFF;
	_ =	strace $0x90000046  }
0xb1: {  	s29 =	simm.s32 $0x9;
	_ =	strace $0x80000048  }
0xb2: {  	_ =	swait.ge [sflag:s29], $0x1  }
0xb3: {  	[sflag:s29] =	ssyncadd.s32 $0xFFFFFFFF  }
0xb4: {  	_ =	strace $0x90000048  }
0xb5: {  	_ =	sfence  }
0xb6: {  	s30 =	sld [smem:$0x0];
	_ =	sdelay $0x2  }
0xb7: {  	s31 =	sshll.u32 s1, $0xD;
	s1 =	sshrl.u32 s1, $0x2  }
0xb8: {  	s3 =	sand.u32 $0x4000, s31;
	s1 =	sadd.s32 s1, s30  }
0xb9: {  	s0 =	sor.u32 s3, s0;
	s1 =	sshll.u32 s1, $0x11  }
0xba: {  	s0 =	sor.u32 s1, s0  }
0xbb: {  	s0 =	sadd.s32 $0x8F2B, s0  }
0xbc: {  	[sflag:s0] =	ssyncadd.remote.s32 $0x1  }
0xbd: {  	_ =	sfence.sel $0xFFFF  }
0xbe: {  	[dreg:$0x0] =	wrdreg $0xFFFFFFFF;
	(pc) =	sbr.abs _section_cstart, $3  }
0xbf: {  	[dreg:$0x1] =	wrdreg $0xFFFFFFFF  }
0xc0: {  	_ =	task.clear_ibuf [dreg:s6], $0x2FFFF;
	_ =	strace $0x9FFFFFFF  }
0xc1: {  	(tm) =	ssettm $0x7FFFFFFF  }
tec
execute0_lowered:
.L_overlay_start_1:
0x0: {  	(tag) =	ssettag $0x1  }
0x1: {  	s1 =	srdreg.scid  }
0x2: {  	s0 =	stileid.u32;
	s6 =	rddreg [dreg:$0x0]  }
0x3: {  	s8 =	simm.s32 $0x80;
	s9 =	simm.s32 $0x400;
	s10 =	simm.s32 $0x0  }
0x4: {  	s3 =	sand.u32 $0x1, s1;
	s29 =	sshll.u32 s0, $0x1;
	s4 =	sshrl.u32 s0, $0x2  }
0x5: {  	v2 =	vlaneseq.u32;
	s1 =	sor.u32 s3, s29;
	s4 =	smul.u32 $0x1A400, s4;
	s30 =	ssub.s32 $0x2, s3  }
0x6: {  	v3 =	vimm.s32 $0xFFFFFFFF;
	vm8 =	vmmov $0x1;
	vm3 =	vcmask $0x704;
	s3 =	sadd.s32 $0x600, s6;
	s2 =	smul.u32 $0x3450, s1;
	s1 =	sshll.u32 s1, $0x7  }
0x7: {  	vm4 =	vcmask $0xB08;
	vm5 =	vcmask $0xF0C;
	vm6 =	vcmask $0x1310;
	s31 =	sshrl.u32 s30, $0x1;
	s7 =	sand.u32 $0x380, s1;
	s1 =	rddreg [dreg:$0x1]  }
0x8: {  	vm7 =	vcmask $0x1714;
	vm13 =	vcmask $0x1B18;
	s5 =	sadd.s32 $0x3450, s2;
	v0 =	vmov s2;
	s2 =	simm.s32 $0x0;
	s4 =	sor.u32 s4, s7  }
0x9: {  	vm14 =	vcmask $0x1F1C;
	vm15 =	vcmask $0x2320;
	vm0 =	vcmask $0x2B28;
	s7 =	simm.s32 $0x5E00;
	[smem:$0x7FF] =	sst s2;
	s4 =	sshrl.u32 s4, $0x3  }
0xa: {  	vm2 =	vcmask $0x2F2C;
	vm9 =	vcmask $0x3330;
	v1 =	vmov s5;
	s5 =	ssub.s32 s30, s31;
	_ =	strace $0x80000047;
	s4 =	sadd.s32 s4, s6  }
0xb: {  	vm10 =	vcmask $0x3734;
	vm11 =	vcmask $0x3B38;
	v4 =	vor.u32 $0x3450, v2;
	s5 =	smax.u32 s5, $0x1;
	s6 =	simm.s32 $0x1;
	s4 =	sadd.s32 $0x1200, s4  }
.LBB2_1:
0xc: {  	[tilespmem:s2], [sflag:$0x1] =	stream.linear.gather [hbm4b:s3+s2], $0x5E00, $0x38;
	[tilespmem:$0x9300] =	vst v63  }
0xd: {  	_ =	swait.ge [sflag:s6], $0x5E00  }
0xe: {  	[sflag:s6] =	ssyncset.done $0x0  }
0xf: {  	s11 =	simm.s32 $0x0;
	[sflag:s6] =	ssyncadd.s32 $0xFFFFA200  }
.LBB2_2:
0x10: {  	p0 =	sne.s32 s11, $0xD200  }
.Ltmp0:
0x11: {  	_ = 	snop;
	(pc) =	sbr.rel @p0 .LBB2_2-.Ltmp0, $3  }
0x12: {  	_ =	sdelay $0x1  }
0x13: {  	s12 =	sshra.s32 s11, $0x2  }
0x14: {  	s11 =	sadd.s32 $0x40, s11;
	[tilespmem:s12+$0x5E00] =	vst v3  }
0x15: {  	s11 =	simm.s32 $0x0  }
0x16: {  	v5 =	vld [tilespmem:s11+$0x0];
	_ =	sdelay $0x4  }
0x17: {  	vm12 =	vge.s32 v5, v0;
	vm1 =	vlt.s32 v5, v1  }
0x18: {  	vm1 =	vmand vm12, vm1  }
0x19: {  	v6 =	vimm.s32 $0x0;
	vm12 =	vmand vm1, vm8  }
0x1a: {  	v6 =	vsel vm12, $0xFFFFFFFF, v6  }
0x1b: {  	vm12 =	vmand vm1, vm3;
	[tilespmem:$0x1FF60] =	vst v6;
	v6 =	vimm.s32 $0x0  }
0x1c: {  	v6 =	vsel vm12, $0xFFFFFFFF, v6  }
0x1d: {  	vm12 =	vmand vm1, vm4;
	[tilespmem:$0x1FF70] =	vst v6;
	v6 =	vimm.s32 $0x0  }
0x1e: {  	v6 =	vsel vm12, $0xFFFFFFFF, v6  }
0x1f: {  	vm12 =	vmand vm1, vm5;
	[tilespmem:$0x1FF80] =	vst v6;
	v6 =	vimm.s32 $0x0  }
0x20: {  	v6 =	vsel vm12, $0xFFFFFFFF, v6  }
0x21: {  	vm12 =	vmand vm1, vm6;
	[tilespmem:$0x1FF90] =	vst v6;
	v6 =	vimm.s32 $0x0  }
0x22: {  	v7 =	vimm.s32 $0x0;
	v6 =	vsel vm12, $0xFFFFFFFF, v6;
	vm12 =	vmand vm1, vm7  }
0x23: {  	v7 =	vsel vm12, $0xFFFFFFFF, v7  }
0x24: {  	[tilespmem:$0x1FFB0] =	vst v7;
	v7 =	vld [tilespmem:$0x1FF60];
	_ =	sdelay $0x4  }
0x25: {  	v5 =	vsub.s32 v5, v0;
	vm12 =	vnez.u8 v7  }
0x26: {  	v5 =	vsel vm1, v5, v4;
	_ =	sdelay $0x3  }
0x27: {  	[tilespmem:$0x1FFA0] =	vst v6;
	v6 =	vor.u32 s11, v2  }
0x28: {  	v7 =	vimm.s32 $0x0;
	[tilespmem:v5+s7+$0x0] =	vst.idx.msk vm12, v6;
	vm12 =	vmand vm1, vm13  }
0x29: {  	v7 =	vsel vm12, $0xFFFFFFFF, v7  }
0x2a: {  	[tilespmem:$0x1FFC0] =	vst v7;
	v7 =	vld [tilespmem:$0x1FF70];
	_ =	sdelay $0x4  }
0x2b: {  	vm12 =	vnez.u8 v7;
	_ =	sdelay $0x5  }
0x2c: {  	v7 =	vimm.s32 $0x0;
	[tilespmem:v5+s7+$0x0] =	vst.idx.msk vm12, v6;
	vm12 =	vmand vm1, vm14  }
0x2d: {  	v7 =	vsel vm12, $0xFFFFFFFF, v7  }
0x2e: {  	[tilespmem:$0x1FFD0] =	vst v7;
	v7 =	vld [tilespmem:$0x1FF80];
	_ =	sdelay $0x4  }
0x2f: {  	vm12 =	vnez.u8 v7;
	_ =	sdelay $0x5  }
0x30: {  	v7 =	vimm.s32 $0x0;
	[tilespmem:v5+s7+$0x0] =	vst.idx.msk vm12, v6;
	vm12 =	vmand vm1, vm15  }
0x31: {  	v7 =	vsel vm12, $0xFFFFFFFF, v7  }
0x32: {  	[tilespmem:$0x1FFE0] =	vst v7;
	v7 =	vld [tilespmem:$0x1FF90];
	_ =	sdelay $0x4  }
0x33: {  	vm12 =	vnez.u8 v7;
	_ =	sdelay $0x5  }
0x34: {  	[tilespmem:v5+s7+$0x0] =	vst.idx.msk vm12, v6;
	vm12 =	vcmask $0x2724  }
0x35: {  	v7 =	vimm.s32 $0x0;
	vm12 =	vmand vm1, vm12  }
0x36: {  	v7 =	vsel vm12, $0xFFFFFFFF, v7  }
0x37: {  	[tilespmem:$0x1FFF0] =	vst v7;
	v7 =	vld [tilespmem:$0x1FFA0];
	_ =	sdelay $0x4  }
0x38: {  	vm12 =	vnez.u8 v7  }
0x39: {  	v7 =	vld [tilespmem:$0x1FFB0];
	_ =	sdelay $0x4  }
0x3a: {  	[tilespmem:v5+s7+$0x0] =	vst.idx.msk vm12, v6;
	vm12 =	vmand vm1, vm0;
	vm0 =	vnez.u8 v7  }
0x3b: {  	v7 =	vld [tilespmem:$0x1FFC0];
	_ =	sdelay $0x4  }
0x3c: {  	[tilespmem:v5+s7+$0x0] =	vst.idx.msk vm0, v6;
	vm0 =	vnez.u8 v7  }
0x3d: {  	v7 =	vld [tilespmem:$0x1FFD0];
	_ =	sdelay $0x4  }
0x3e: {  	[tilespmem:v5+s7+$0x0] =	vst.idx.msk vm0, v6;
	vm0 =	vnez.u8 v7  }
0x3f: {  	v7 =	vld [tilespmem:$0x1FFE0];
	_ =	sdelay $0x4  }
0x40: {  	[tilespmem:v5+s7+$0x0] =	vst.idx.msk vm0, v6;
	vm0 =	vnez.u8 v7  }
0x41: {  	v7 =	vld [tilespmem:$0x1FFF0];
	_ =	sdelay $0x4  }
0x42: {  	[tilespmem:v5+s7+$0x0] =	vst.idx.msk vm0, v6;
	vm0 =	vnez.u8 v7;
	_ =	sdelay $0x1  }
0x43: {  	vm2 =	vmand vm1, vm2  }
0x44: {  	vm9 =	vmand vm1, vm9  }
0x45: {  	vm10 =	vmand vm1, vm10  }
0x46: {  	vm11 =	vmand vm1, vm11  }
0x47: {  	[tilespmem:v5+s7+$0x0] =	vst.idx.msk vm0, v6;
	vm0 =	vcmask $0x3F3C  }
0x48: {  	[tilespmem:v5+s7+$0x0] =	vst.idx.msk vm12, v6;
	vm1 =	vmand vm1, vm0  }
0x49: {  	[tilespmem:v5+s7+$0x0] =	vst.idx.msk vm2, v6  }
0x4a: {  	[tilespmem:v5+s7+$0x0] =	vst.idx.msk vm9, v6  }
0x4b: {  	[tilespmem:v5+s7+$0x0] =	vst.idx.msk vm10, v6  }
0x4c: {  	s12 =	simm.s32 $0x10;
	[tilespmem:v5+s7+$0x0] =	vst.idx.msk vm11, v6  }
.LBB2_4:
0x4d: {  	p0 =	sne.s32 s12, $0x5DF0  }
0x4e: {  	[tilespmem:v5+s7+$0x0] =	vst.idx.msk vm1, v6;
	s11 =	sadd.s32 $0x10, s11;
	s13 =	smov.u32 s12;
	s12 =	sadd.s32 $0x10, s12  }
0x4f: {  	v5 =	vld [tilespmem:s11+$0x0];
	_ =	sdelay $0x4  }
0x50: {  	vm1 =	vge.s32 v5, v0;
	vm2 =	vlt.s32 v5, v1  }
0x51: {  	vm1 =	vmand vm1, vm2  }
0x52: {  	vm0 =	vmmov vm8;
	v5 =	vsub.s32 v5, v0;
	vm2 =	vmand vm1, vm8  }
0x53: {  	v5 =	vsel vm1, v5, v4;
	vm8 =	vmmov vm3;
	vm3 =	vmand vm1, vm3  }
0x54: {  	vm9 =	vmmov vm4;
	vm4 =	vmand vm1, vm4  }
0x55: {  	vm10 =	vmand vm1, vm5  }
0x56: {  	vm11 =	vmand vm1, vm6  }
0x57: {  	v6 =	vor.u32 s13, v2;
	vm12 =	vmand vm1, vm7  }
0x58: {  	[tilespmem:v5+s7+$0x0] =	vst.idx.msk vm2, v6;
	vm2 =	vmand vm1, vm13  }
0x59: {  	[tilespmem:v5+s7+$0x0] =	vst.idx.msk vm3, v6;
	vm3 =	vmand vm1, vm14  }
0x5a: {  	[tilespmem:v5+s7+$0x0] =	vst.idx.msk vm4, v6;
	vm4 =	vmand vm1, vm15  }
0x5b: {  	[tilespmem:v5+s7+$0x0] =	vst.idx.msk vm10, v6;
	vm10 =	vcmask $0x2724  }
0x5c: {  	vm10 =	vmand vm1, vm10  }
0x5d: {  	[tilespmem:v5+s7+$0x0] =	vst.idx.msk vm11, v6;
	vm11 =	vcmask $0x2B28  }
0x5e: {  	vm11 =	vmand vm1, vm11  }
0x5f: {  	[tilespmem:v5+s7+$0x0] =	vst.idx.msk vm12, v6;
	vm12 =	vcmask $0x2F2C  }
0x60: {  	vm12 =	vmand vm1, vm12  }
0x61: {  	[tilespmem:v5+s7+$0x0] =	vst.idx.msk vm2, v6;
	vm2 =	vcmask $0x3330  }
0x62: {  	vm2 =	vmand vm1, vm2  }
0x63: {  	[tilespmem:v5+s7+$0x0] =	vst.idx.msk vm3, v6;
	vm3 =	vcmask $0x3734  }
0x64: {  	vm3 =	vmand vm1, vm3  }
0x65: {  	[tilespmem:v5+s7+$0x0] =	vst.idx.msk vm4, v6;
	vm4 =	vcmask $0x3B38  }
0x66: {  	vm4 =	vmand vm1, vm4  }
0x67: {  	[tilespmem:v5+s7+$0x0] =	vst.idx.msk vm10, v6;
	vm10 =	vcmask $0x3F3C  }
0x68: {  	vm1 =	vmand vm1, vm10  }
.Ltmp1:
0x69: {  	[tilespmem:v5+s7+$0x0] =	vst.idx.msk vm11, v6;
	(pc) =	sbr.rel @p0 .LBB2_4-.Ltmp1, $4  }
0x6a: {  	[tilespmem:v5+s7+$0x0] =	vst.idx.msk vm12, v6  }
0x6b: {  	[tilespmem:v5+s7+$0x0] =	vst.idx.msk vm2, v6  }
0x6c: {  	[tilespmem:v5+s7+$0x0] =	vst.idx.msk vm3, v6;
	vm3 =	vmmov vm8;
	vm8 =	vmmov vm0  }
0x6d: {  	[tilespmem:v5+s7+$0x0] =	vst.idx.msk vm4, v6;
	vm4 =	vmmov vm9  }
0x6e: {  	_ =	sdelay $0x2  }
0x6f: {  	s10 =	sadd.s32 $0x1, s10  }
0x70: {  	p0 =	sne.s32 s10, s5  }
.Ltmp2:
0x71: {  	[tilespmem:v5+s7+$0x0] =	vst.idx.msk vm1, v6;
	(pc) =	sbr.rel @p0 .LBB2_1-.Ltmp2, $4  }
0x72: {  	[hbm4b:s4+s8] =	stream.strided.scatter [tilespmem:s7], [sflag:$0x1], $0x3480, s9, s8, $0x38;
	[tilespmem:$0x9300] =	vst v63  }
0x73: {  	_ =	swait.ge [sflag:s6], $0x3480  }
0x74: {  	vm0 =	vcmask $0x2B28;
	vm2 =	vcmask $0x2F2C;
	[sflag:s6] =	ssyncset.done $0x0  }
0x75: {  	vm9 =	vcmask $0x3330;
	vm10 =	vcmask $0x3734;
	vm11 =	vcmask $0x3B38;
	[sflag:s6] =	ssyncadd.s32 $0xFFFFCB80  }
0x76: {  	_ =	sfence.sel $0x180000  }
0x77: {  	[bflag:$0x0] =	sbarrier.arrive $0xFFFF  }
0x78: {  	p0 =	sne.s32 s0, $0x0;
	_ =	strace $0x90000047  }
0x79: {  	s0 =	sadd.s32 @!p0 $0x100000, s1;
	[bflag:$0x2] =	sbarrier.arrive $0xFFFF  }
0x7a: {  	[sflag:s0] =	ssyncadd.tile.s32 @!p0 $0x1;
	_ =	shalt  }
.Lfunc_end2:
_tile_overlayer_lowered:
.L_overlay_start_2:
0x7b: {  	(tag) =	ssettag $0x2  }
0x7c: {  	s0 =	rddreg [dreg:$0x0];
	s2 =	stileid.u32  }
0x7d: {  	s1 =	rddreg [dreg:$0x1];
	p0 =	sne.s32 s2, $0x0  }
0x7e: {  	s3 =	rddreg [dreg:$0x2];
	[bflag:$0x3] =	sbarrier.arrive $0xFFFF;
	s2 =	simm.s32 @!p0 $0x1C01  }
0x7f: {  	[timem:s3], [sflag:s2] =	dma.local @!p0 [hbm:s0], s1  }
0x80: {  	s0 =	simm.s32 @!p0 $0x1  }
0x81: {  	_ =	swait.ge @!p0 [sflag:s0], s1  }
0x82: {  	s1 =	ssub.s32 @!p0 $0x0, s1;
	[sflag:s0] =	ssyncset.done @!p0 $0x0  }
0x83: {  	[sflag:s0] =	ssyncadd.s32 @!p0 s1  }
0x84: {  	[bflag:$0x3] =	sbarrier.arrive $0xFFFF  }
0x85: {  	_ =	shalt  }

// kernel: kernel.9.cloned.1.call-start
scs
__scs_entry_jumppad:
0x0: {  	(pc) =	sbr.rel $0x88, $3  }
0x1: {  	(tag) =	ssettag $0x0;
	lr =	simm.s32 $0x1  }
0x2: {  	[smem:$0x3F9C] =	sst lr;
	_ =	strace $0xD0000000  }
0x3: {  	_ = 	snop  }
0x4: {  	_ = 	snop  }
0x5: {  	_ = 	snop  }
0x6: {  	_ = 	snop  }
0x7: {  	_ = 	snop  }
__scs_overlays_trampoline_lowered:
0x8: {  	[smem:$0x3FAB] =	sst s0  }
0x9: {  	[smem:$0x3FAC] =	sst s1  }
0xa: {  	[smem:$0x3FAD] =	sst s2  }
0xb: {  	[smem:$0x3FAE] =	sst s3  }
0xc: {  	[smem:$0x3FAF] =	sst s4  }
0xd: {  	[smem:$0x3FB0] =	sst s5  }
0xe: {  	[smem:$0x3FB1] =	sst s6  }
0xf: {  	[smem:$0x3FB2] =	sst s7  }
0x10: {  	[smem:$0x3FB3] =	sst s8  }
0x11: {  	[smem:$0x3FB4] =	sst s9;
	s0 =	simm.s32 @!p0 $0x0  }
0x12: {  	s1 =	sld [smem:$0x3F9A];
	s0 =	simm.s32 @p0 $0x1  }
0x13: {  	[smem:$0x3FB5] =	sst s0;
	s0 =	simm.s32 @!p1 $0x0  }
0x14: {  	s2 =	sld [smem:$0x3F99];
	s0 =	simm.s32 @p1 $0x1  }
0x15: {  	[smem:$0x3FB6] =	sst s0;
	s0 =	simm.s32 @!p2 $0x0  }
0x16: {  	s3 =	sld [smem:$0x3FDB];
	s0 =	simm.s32 @p2 $0x1  }
0x17: {  	s4 =	simm.s32 $0x1BF5;
	[smem:$0x3FB8] =	sst s0  }
0x18: {  	s0 =	sld [smem:$0x3F9B];
	_ =	swait.ge [sflag:s4], $0x0  }
0x19: {  	s7 =	sld [smem:$0x3F9C]  }
0x1a: {  	s8 =	sadd.s32 $0xFFFFE003, lr  }
0x1b: {  	s9 =	sadd.s32 $0xFFFFFEF7, lr;
	s5 =	simm.s32 $0xFFFFFFFF;
	p2 =	slt.u32 s8, $0xFFFFF086  }
0x1c: {  	p1 =	slt.u32 s9, $0xF7A;
	s5 =	simm.s32 @!p2 $0x0  }
0x1d: {  	s5 =	simm.s32 @p1 $0x1;
	p0 =	seq.s32 s7, s2  }
0x1e: {  	s7 =	smul.u32 @!p0 $0xF7A, s2;
	p2 =	seq.s32 @!p0 s5, $0x0  }
0x1f: {  	s9 =	smul.u32 $0xF7A, s1;
	s8 =	simm.s32 @!p0 $0x1BF5;
	p2 =	por !p2, p0  }
0x20: {  	[sflag:s8] =	ssyncset.s32 @!p0 $0xFFFFF086;
	s6 =	sadd.s32 @!p0 s3, s7;
	s7 =	simm.s32 @!p0 $0x108  }
0x21: {  	s3 =	sadd.s32 s3, s9;
	s6 =	sadd.s32 @!p0 $0x88, s6;
	s7 =	simm.s32 @p2 $0x1082  }
0x22: {  	[simem:s7], [sflag:s8] =	dma.local @!p0 [hbm:s6], $0xF7A  }
0x23: {  	s9 =	sor.u32 $0xD0000000, s2;
	s6 =	simm.s32 $0x108;
	_ =	swait.ge @!p0 [sflag:s8], $0x0  }
0x24: {  	s3 =	sadd.s32 $0x88, s3;
	s6 =	simm.s32 @!p1 $0x1082;
	[sflag:s4] =	ssyncset.s32 $0xFFFFF086  }
0x25: {  	[simem:s6], [sflag:s4] =	dma.local [hbm:s3], $0xF7A  }
0x26: {  	[smem:$0x3F9C] =	sst s1;
	(tag) =	ssettag s2;
	_ =	strace s9  }
0x27: {  	s1 =	sld [smem:$0x3FAC]  }
0x28: {  	s2 =	sld [smem:$0x3FAD]  }
0x29: {  	s4 =	sld [smem:$0x3FAF]  }
0x2a: {  	p0 =	seq.s32 s5, $0x0;
	s5 =	sld [smem:$0x3FB0]  }
0x2b: {  	s6 =	sld [smem:$0x3FB1]  }
0x2c: {  	s7 =	sld [smem:$0x3FB2]  }
0x2d: {  	s3 =	simm.s32 $0x108;
	s8 =	sld [smem:$0x3FB3]  }
0x2e: {  	s3 =	simm.s32 @!p0 $0x1082;
	s9 =	sld [smem:$0x3FB4]  }
0x2f: {  	lr =	sadd.s32 s0, s3;
	s0 =	sld [smem:$0x3FAB]  }
0x30: {  	s3 =	sld [smem:$0x3FAE]  }
0x31: {  	[smem:$0x3FB7] =	sst s10  }
0x32: {  	s10 =	sld [smem:$0x3FB5];
	_ =	sdelay $0x3  }
0x33: {  	p0 =	seq.s32 s10, $0x1;
	s10 =	sld [smem:$0x3FB7];
	_ =	sdelay $0x3  }
0x34: {  	[smem:$0x3FB7] =	sst s10  }
0x35: {  	s10 =	sld [smem:$0x3FB6];
	_ =	sdelay $0x3  }
0x36: {  	p1 =	seq.s32 s10, $0x1;
	s10 =	sld [smem:$0x3FB7];
	_ =	sdelay $0x3  }
0x37: {  	[smem:$0x3FB7] =	sst s10  }
0x38: {  	s10 =	sld [smem:$0x3FB8]  }
0x39: {  	_ = 	snop;
	(pc) =	sbr.ind lr, $3  }
0x3a: {  	_ = 	snop  }
0x3b: {  	_ = 	snop  }
0x3c: {  	p2 =	seq.s32 s10, $0x1;
	s10 =	sld [smem:$0x3FB7]  }
0x3d: {  	_ =	shalt  }
0x3e: {  	_ =	shalt  }
0x3f: {  	_ =	shalt  }
0x40: {  	_ =	shalt  }
0x41: {  	_ =	shalt  }
0x42: {  	_ =	shalt  }
0x43: {  	_ =	shalt  }
0x44: {  	_ =	shalt  }
0x45: {  	_ =	shalt  }
0x46: {  	_ =	shalt  }
0x47: {  	_ =	shalt  }
0x48: {  	_ =	shalt  }
0x49: {  	_ =	shalt  }
0x4a: {  	_ =	shalt  }
0x4b: {  	_ =	shalt  }
0x4c: {  	_ =	shalt  }
0x4d: {  	_ =	shalt  }
0x4e: {  	_ =	shalt  }
0x4f: {  	_ =	shalt  }
0x50: {  	_ =	shalt  }
0x51: {  	_ =	shalt  }
0x52: {  	_ =	shalt  }
0x53: {  	_ =	shalt  }
0x54: {  	_ =	shalt  }
0x55: {  	_ =	shalt  }
0x56: {  	_ =	shalt  }
0x57: {  	_ =	shalt  }
0x58: {  	_ =	shalt  }
0x59: {  	_ =	shalt  }
0x5a: {  	_ =	shalt  }
0x5b: {  	_ =	shalt  }
0x5c: {  	_ =	shalt  }
0x5d: {  	_ =	shalt  }
0x5e: {  	_ =	shalt  }
0x5f: {  	_ =	shalt  }
0x60: {  	_ =	shalt  }
0x61: {  	_ =	shalt  }
0x62: {  	_ =	shalt  }
0x63: {  	_ =	shalt  }
0x64: {  	_ =	shalt  }
0x65: {  	_ =	shalt  }
0x66: {  	_ =	shalt  }
0x67: {  	_ =	shalt  }
0x68: {  	_ =	shalt  }
0x69: {  	_ =	shalt  }
0x6a: {  	_ =	shalt  }
0x6b: {  	_ =	shalt  }
0x6c: {  	_ =	shalt  }
0x6d: {  	_ =	shalt  }
0x6e: {  	_ =	shalt  }
0x6f: {  	_ =	shalt  }
0x70: {  	_ =	shalt  }
0x71: {  	_ =	shalt  }
0x72: {  	_ =	shalt  }
0x73: {  	_ =	shalt  }
0x74: {  	_ =	shalt  }
0x75: {  	_ =	shalt  }
0x76: {  	_ =	shalt  }
0x77: {  	_ =	shalt  }
0x78: {  	_ =	shalt  }
0x79: {  	_ =	shalt  }
0x7a: {  	_ =	shalt  }
0x7b: {  	_ =	shalt  }
0x7c: {  	_ =	shalt  }
0x7d: {  	_ =	shalt  }
0x7e: {  	_ =	shalt  }
0x7f: {  	_ =	shalt  }
0x80: {  	_ =	shalt  }
0x81: {  	_ =	shalt  }
0x82: {  	_ =	shalt  }
0x83: {  	_ =	shalt  }
0x84: {  	_ =	shalt  }
0x85: {  	_ =	shalt  }
0x86: {  	_ =	shalt  }
0x87: {  	_ =	shalt  }
.Lfunc_end0:
.L_simem_size_0:
called_computation.1_lowered:
.L_overlay_start_0:
0x88: {  	s2 =	sld [smem:$0x3FD9]  }
0x89: {  	s3 =	sld [smem:$0x3FFE];
	_ =	sdelay $0x1  }
0x8a: {  	s1 =	srdreg.scid  }
0x8b: {  	s0 =	sand.u32 $0x1, s1  }
0x8c: {  	s17 =	sshll.u32 s0, $0xA;
	s2 =	sadd.s32 s3, s2  }
0x8d: {  	s2 =	sadd.s32 s2, s17  }
0x8e: {  	[smem:$0x3FC3] =	sst s2  }
0x8f: {  	_ = 	snop  }
0x90: {  	s2 =	sld [smem:$0x3FD0];
	(tm) =	ssettm $0x1  }
0x91: {  	s18 =	sld [smem:$0x3FFB];
	_ =	sdelay $0x3  }
0x92: {  	_ =	strace s18  }
0x93: {  	s3 =	sld [smem:$0x3FFC];
	_ =	sdelay $0x3  }
0x94: {  	_ =	strace s3  }
0x95: {  	s3 =	sld [smem:$0x3FFD];
	_ =	sdelay $0x3  }
0x96: {  	_ =	strace s3  }
0x97: {  	_ =	strace $0x8FFFFFFF  }
0x98: {  	s19 =	sld [smem:$0x3FDB];
	_ =	sdelay $0x1  }
0x99: {  	s4 =	simm.s32 $_scs_section_size  }
0x9a: {  	s5 =	simm.s32 $_size__tile_overlayer_lowered;
	s6 =	simm.s32 $_tile_overlayer_lowered  }
0x9b: {  	s22 =	simm.s32 $0x1BFF;
	s21 =	sshll.u32 s6, $0x1;
	s3 =	sadd.s32 s4, s19  }
0x9c: {  	s7 =	simm.s32 $0x0;
	s20 =	sshll.u32 s5, $0x1;
	s5 =	sadd.s32 s21, s3  }
0x9d: {  	[timem:s7], [sflag:s22] =	dma.local [hbm:s5], s20  }
0x9e: {  	_ =	swait.ge [sflag:s22], s20  }
0x9f: {  	s4 =	ssub.s32 $0x0, s20;
	[sflag:s22] =	ssyncset.done $0x0  }
0xa0: {  	[sflag:s22] =	ssyncadd.s32 s4;
	_ =	sdelay $0x1  }
0xa1: {  	s23 =	simm.s32 $0x1B8B  }
0xa2: {  	_ =	swait.ge [sflag:s23], $0x1  }
0xa3: {  	[sflag:s23] =	ssyncset.done $0x0  }
0xa4: {  	s25 =	simm.s32 $0x1B8E;
	s24 =	sld [smem:$0x3FFE];
	[sflag:s23] =	ssyncadd.s32 $0xFFFFFFFF  }
0xa5: {  	s26 =	simm.s32 $execute0_lowered;
	[smem:$0x3FD2] =	sst s25  }
0xa6: {  	s5 =	sshll.u32 s26, $0x1;
	_ =	strace $0x80000049;
	[dreg:$0x1] =	wrdreg $0xFFFFFFFF  }
0xa7: {  	s28 =	simm.s32 $_size_execute0_lowered;
	s3 =	sadd.s32 s3, s5;
	[dreg:$0x0] =	wrdreg $0x0  }
0xa8: {  	s5 =	sshll.u32 s28, $0x1;
	[dreg:$0x2] =	wrdreg s3  }
0xa9: {  	[dreg:$0x3] =	wrdreg s5  }
0xaa: {  	[dreg:$0x4] =	wrdreg $0xC0  }
0xab: {  	_ =	task [dreg:s7], $0x5FFFF  }
0xac: {  	[dreg:$0x1] =	wrdreg $0xFFFFFFFF  }
0xad: {  	[dreg:$0x0] =	wrdreg $0x60  }
0xae: {  	[dreg:$0x2] =	wrdreg s24  }
0xaf: {  	[dreg:$0x3] =	wrdreg s2  }
0xb0: {  	[dreg:$0x4] =	wrdreg $0x9  }
0xb1: {  	_ =	task.clear_ibuf [dreg:s7], $0x5FFFF;
	_ =	strace $0x90000049  }
0xb2: {  	s29 =	simm.s32 $0x9;
	_ =	strace $0x8000004B  }
0xb3: {  	_ =	swait.ge [sflag:s29], $0x1  }
0xb4: {  	[sflag:s29] =	ssyncadd.s32 $0xFFFFFFFF  }
0xb5: {  	_ =	strace $0x9000004B  }
0xb6: {  	_ =	sfence  }
0xb7: {  	s30 =	sld [smem:$0x0];
	_ =	sdelay $0x2  }
0xb8: {  	s31 =	sshll.u32 s1, $0xD;
	s1 =	sshrl.u32 s1, $0x2  }
0xb9: {  	s3 =	sand.u32 $0x4000, s31;
	s1 =	sadd.s32 s1, s30  }
0xba: {  	s0 =	sor.u32 s3, s0;
	s1 =	sshll.u32 s1, $0x11  }
0xbb: {  	s0 =	sor.u32 s1, s0  }
0xbc: {  	s0 =	sadd.s32 $0x8F2B, s0  }
0xbd: {  	[sflag:s0] =	ssyncadd.remote.s32 $0x1  }
0xbe: {  	_ =	sfence.sel $0xFFFF  }
0xbf: {  	[dreg:$0x0] =	wrdreg $0xFFFFFFFF;
	(pc) =	sbr.abs _section_cstart, $3  }
0xc0: {  	[dreg:$0x1] =	wrdreg $0xFFFFFFFF  }
0xc1: {  	_ =	task.clear_ibuf [dreg:s7], $0x2FFFF;
	_ =	strace $0x9FFFFFFF  }
0xc2: {  	(tm) =	ssettm $0x7FFFFFFF  }
0xc3: {  	_ =	shalt  }
tec
execute0_lowered:
.L_overlay_start_1:
0x0: {  	(tag) =	ssettag $0x1  }
0x1: {  	s4 =	rddreg [dreg:$0x0]  }
0x2: {  	s2 =	rddreg [dreg:$0x1];
	s3 =	srdreg.scid  }
0x3: {  	s0 =	rddreg [dreg:$0x2];
	s1 =	stileid.u32  }
0x4: {  	s11 =	simm.s32 $0x9D80;
	s12 =	simm.s32 $0x9E80;
	s13 =	simm.s32 $0x9E00  }
0x5: {  	s14 =	simm.s32 $0x0;
	s5 =	sand.u32 $0x1, s3;
	s6 =	sshrl.u32 s1, $0x2  }
0x6: {  	s7 =	sshll.u32 s1, $0x8;
	s31 =	smul.u32 $0x68A0, s1;
	s8 =	sshll.u32 s5, $0x7  }
0x7: {  	s3 =	simm.s32 $0x0;
	s6 =	smul.u32 $0x1A400, s6;
	s7 =	sor.u32 s8, s7  }
0x8: {  	[smem:$0x7FF] =	sst s3;
	s10 =	smul.u32 $0x3450, s5;
	s7 =	sand.u32 $0x380, s7  }
.Ltmp0:
0x9: {  	s30 =	ssub.s32 $0x2, s5;
	s6 =	sor.u32 s6, s7;
	(pc) =	sbr.rel .LBB2_1-.Ltmp0, $4  }
0xa: {  	_ =	strace $0x8000004A;
	s9 =	sshrl.u32 s30, $0x1;
	s6 =	sshrl.u32 s6, $0x3  }
0xb: {  	v0 =	vlaneseq.u32;
	s8 =	simm.s32 $0x80;
	s7 =	ssub.s32 s30, s9;
	s6 =	sadd.s32 s6, s4  }
0xc: {  	v2 =	vand.u32 $0x7, v0;
	s9 =	simm.s32 $0x400;
	s4 =	sadd.s32 $0xE400, s4;
	s5 =	sadd.s32 $0x1200, s6  }
0xd: {  	v1 =	vimm.s32 $0x0;
	v2 =	vor.u32 $0x68A00, v2;
	s6 =	smax.u32 s7, $0x1;
	s7 =	sadd.s32 s10, s31;
	s10 =	simm.s32 $0x1  }
.LBB2_8:
0xe: {  	[sflag:s10] =	ssyncadd.s32 $0xFFFFC000  }
.LBB2_9:
0xf: {  	s14 =	sadd.s32 $0x1, s14  }
0x10: {  	p0 =	sne.s32 s14, s6  }
.Ltmp1:
0x11: {  	_ = 	snop;
	(pc) =	sbr.rel @!p0 .LBB2_10-.Ltmp1, $1  }
0x12: {  	_ =	sdelay $0x3  }
.LBB2_1:
0x13: {  	[tilespmem:s3], [sflag:$0x1] =	stream.strided.gather [hbm4b:s5+s8], $0x3480, s9, s8, $0x38;
	[tilespmem:$0xDE80] =	vst v63  }
0x14: {  	_ =	swait.ge [sflag:s10], $0x3480  }
0x15: {  	[sflag:s10] =	ssyncset.done $0x0  }
0x16: {  	s15 =	simm.s32 $0x0;
	[sflag:s10] =	ssyncadd.s32 $0xFFFFCB80  }
.LBB2_2:
0x17: {  	p0 =	sne.s32 s15, $0xD140  }
.Ltmp2:
0x18: {  	_ = 	snop;
	(pc) =	sbr.rel @p0 .LBB2_2-.Ltmp2, $4  }
0x19: {  	_ = 	snop  }
0x1a: {  	s16 =	sshra.s32 s15, $0x2  }
0x1b: {  	[tilespmem:s16+$0x3480] =	vst v1  }
0x1c: {  	s15 =	sadd.s32 $0x40, s15;
	[tilespmem:s16+$0x6900] =	vst v2  }
0x1d: {  	s15 =	simm.s32 $0x0  }
0x1e: {  	v3 =	vld [tilespmem:s15+$0x0];
	_ =	sdelay $0x4  }
0x1f: {  	vm0 =	vgt.s32 v3, $0xFFFFFFFF  }
0x20: {  	v4 =	vsel vm0, $0x1, v1  }
0x21: {  	(xrf0) =	vadd.scan.msk.s32 $0xffff, v4;
	_ =	sdelay $0x5  }
0x22: {  	v4, _, _ =	vpop (xrf0)  }
0x23: {  	s16 =	simm.s32 $0x0;
	(v2sf) =	vpush v4, $0xF  }
0x24: {  	[tilespmem:s16+$0x3480] =	vst.msk vm0, v3;
	v3 =	vor.u32 s7, v0  }
0x25: {  	s18 =	simm.s32 $0x10;
	s17 =	simm.s32 $0x80;
	s15 =	smov.u32 s7;
	[tilespmem:s16+$0x6900] =	vst.msk vm0, v3  }
.LBB2_4:
0x26: {  	p0 =	sne.s32 s17, $0xD100;
	v3 =	vld [tilespmem:s18+$0x0];
	_ =	sdelay $0x4  }
0x27: {  	vm0 =	vgt.s32 v3, $0xFFFFFFFF  }
0x28: {  	v4 =	vsel vm0, $0x1, v1  }
0x29: {  	(xrf0) =	vadd.scan.msk.s32 $0xffff, v4;
	_ =	sdelay $0x4  }
.Ltmp3:
0x2a: {  	s18 =	spop (v2sf);
	(pc) =	sbr.rel @p0 .LBB2_4-.Ltmp3, $4  }
0x2b: {  	s15 =	sadd.s32 $0x10, s15;
	v4, _, _ =	vpop (xrf0);
	s16 =	sadd.s32 s16, s18  }
0x2c: {  	[tilespmem:s16+$0x3480] =	vst.msk vm0, v3;
	v3 =	vor.u32 s15, v0;
	(v2sf) =	vpush v4, $0xF  }
0x2d: {  	[tilespmem:s16+$0x6900] =	vst.msk vm0, v3  }
0x2e: {  	s18 =	sshra.s32 s17, $0x2;
	s17 =	sadd.s32 $0x40, s17  }
0x2f: {  	v3 =	vld [tilespmem:s18+$0x0];
	_ =	sdelay $0x4  }
0x30: {  	vm0 =	vgt.s32 v3, $0xFFFFFFFF  }
0x31: {  	v4 =	vsel vm0, $0x1, v1  }
0x32: {  	(xrf0) =	vadd.scan.msk.s32 $0xffff, v4;
	_ =	sdelay $0x5  }
0x33: {  	v4, _, _ =	vpop (xrf0)  }
0x34: {  	(v2sf) =	vpush v4, $0xF;
	_ =	sdelay $0xd  }
0x35: {  	s17 =	spop (v2sf)  }
0x36: {  	s16 =	sadd.s32 s16, s17;
	s29 =	spop (v2sf)  }
0x37: {  	s17 =	sadd.s32 s16, s29  }
0x38: {  	s17 =	sadd.s32 $0x7F, s17  }
0x39: {  	s30 =	sand.u32 $0x7F, s17  }
0x3a: {  	s31 =	sshra.s32 s17, $0x1F;
	p1 =	slt.s32 s17, $0x1;
	p0 =	sne.s32 s30, $0x0  }
0x3b: {  	s18 =	sshrl.u32 s31, $0x19;
	p0 =	por !p1, !p0  }
0x3c: {  	s17 =	sadd.s32 s18, s17;
	s18 =	simm.s32 $0x1;
	p0 =	por !p0, !p0  }
0x3d: {  	s17 =	sshra.s32 s17, $0x7;
	s18 =	simm.s32 @!p0 $0x0  }
0x3e: {  	s17 =	ssub.s32 s17, s18  }
0x3f: {  	p0 =	slt.s32 s17, $0x1  }
.Ltmp4:
0x40: {  	_ = 	snop;
	(pc) =	sbr.rel @p0 .LBB2_9-.Ltmp4, $4  }
0x41: {  	_ = 	snop  }
0x42: {  	s15 =	sadd.s32 $0x10, s15  }
0x43: {  	[tilespmem:s16+$0x3480] =	vst.msk vm0, v3;
	v3 =	vor.u32 s15, v0  }
0x44: {  	[tilespmem:s16+$0x6900] =	vst.msk vm0, v3  }
0x45: {  	s15 =	simm.s32 $0x34C0  }
0x46: {  	v3 =	vld [tilespmem:s15+$0xFFFFFFC0];
	_ =	sdelay $0x4  }
0x47: {  	s16 =	simm.s32 $0x6940;
	[tilespmem:$0x9D80] =	vst v3  }
0x48: {  	v3 =	vld [tilespmem:s16+$0xFFFFFFC0];
	_ =	sdelay $0x4  }
0x49: {  	[tilespmem:$0x9E00] =	vst v3  }
0x4a: {  	v3 =	vld [tilespmem:s15+$0xFFFFFFD0];
	_ =	sdelay $0x4  }
0x4b: {  	[tilespmem:$0x9D90] =	vst v3  }
0x4c: {  	v3 =	vld [tilespmem:s16+$0xFFFFFFD0];
	_ =	sdelay $0x4  }
0x4d: {  	[tilespmem:$0x9E10] =	vst v3  }
0x4e: {  	v3 =	vld [tilespmem:s15+$0xFFFFFFE0];
	_ =	sdelay $0x4  }
0x4f: {  	[tilespmem:$0x9DA0] =	vst v3  }
0x50: {  	v3 =	vld [tilespmem:s16+$0xFFFFFFE0];
	_ =	sdelay $0x4  }
0x51: {  	[tilespmem:$0x9E20] =	vst v3  }
0x52: {  	v3 =	vld [tilespmem:s15+$0xFFFFFFF0];
	_ =	sdelay $0x4  }
0x53: {  	[tilespmem:$0x9DB0] =	vst v3  }
0x54: {  	v3 =	vld [tilespmem:s16+$0xFFFFFFF0];
	_ =	sdelay $0x4  }
0x55: {  	[tilespmem:$0x9E30] =	vst v3  }
0x56: {  	v3 =	vld [tilespmem:s15+$0x0];
	_ =	sdelay $0x4  }
0x57: {  	[tilespmem:$0x9DC0] =	vst v3  }
0x58: {  	v3 =	vld [tilespmem:s16+$0x0];
	_ =	sdelay $0x4  }
0x59: {  	[tilespmem:$0x9E40] =	vst v3  }
0x5a: {  	v3 =	vld [tilespmem:s15+$0x10];
	_ =	sdelay $0x4  }
0x5b: {  	[tilespmem:$0x9DD0] =	vst v3  }
0x5c: {  	v3 =	vld [tilespmem:s16+$0x10];
	_ =	sdelay $0x4  }
0x5d: {  	[tilespmem:$0x9E50] =	vst v3  }
0x5e: {  	v3 =	vld [tilespmem:s15+$0x20];
	_ =	sdelay $0x4  }
0x5f: {  	[tilespmem:$0x9DE0] =	vst v3  }
0x60: {  	v3 =	vld [tilespmem:s16+$0x20];
	_ =	sdelay $0x4  }
0x61: {  	[tilespmem:$0x9E60] =	vst v3  }
0x62: {  	v3 =	vld [tilespmem:s15+$0x30];
	_ =	sdelay $0x4  }
0x63: {  	[tilespmem:$0x9DF0] =	vst v3  }
0x64: {  	v3 =	vld [tilespmem:s16+$0x30];
	_ =	sdelay $0x4  }
0x65: {  	[tilespmem:$0x9E70] =	vst v3  }
0x66: {  	[tilespmem:s12], [sflag:$0x1] =	stream.indirect.gather [hbm4b:s2+s8], $0x80, s11, s8, $0xb8;
	[tilespmem:$0xDE80] =	vst v63  }
0x67: {  	p0 =	sne.s32 s17, $0x1;
	_ =	swait.ge [sflag:s10], $0x4000  }
.Ltmp5:
0x68: {  	[sflag:s10] =	ssyncset.done $0x0;
	(pc) =	sbr.rel @!p0 .LBB2_8-.Ltmp5, $4  }
0x69: {  	[sflag:s10] =	ssyncadd.s32 $0xFFFFC000  }
0x6a: {  	[hbm4b:s4+s8] =	stream.indirect.scatter [tilespmem:s12], [sflag:$0x1], $0x80, s13, s8, $0xb8;
	[tilespmem:$0xDE80] =	vst v63  }
0x6b: {  	_ =	swait.ge [sflag:s10], $0x4000  }
0x6c: {  	s17 =	sadd.s32 $0xFFFFFFFF, s17;
	[sflag:s10] =	ssyncset.done $0x0  }
.LBB2_7:
0x6d: {  	[sflag:s10] =	ssyncadd.s32 $0xFFFFC000;
	s15 =	sadd.s32 $0x80, s15;
	s16 =	sadd.s32 $0x80, s16  }
0x6e: {  	p0 =	sne.s32 s17, $0x1;
	s17 =	sadd.s32 $0xFFFFFFFF, s17;
	v3 =	vld [tilespmem:s15+$0xFFFFFFC0];
	_ =	sdelay $0x4  }
0x6f: {  	[tilespmem:$0x9D80] =	vst v3  }
0x70: {  	v3 =	vld [tilespmem:s16+$0xFFFFFFC0];
	_ =	sdelay $0x4  }
0x71: {  	[tilespmem:$0x9E00] =	vst v3  }
0x72: {  	v3 =	vld [tilespmem:s15+$0xFFFFFFD0];
	_ =	sdelay $0x4  }
0x73: {  	[tilespmem:$0x9D90] =	vst v3  }
0x74: {  	v3 =	vld [tilespmem:s16+$0xFFFFFFD0];
	_ =	sdelay $0x4  }
0x75: {  	[tilespmem:$0x9E10] =	vst v3  }
0x76: {  	v3 =	vld [tilespmem:s15+$0xFFFFFFE0];
	_ =	sdelay $0x4  }
0x77: {  	[tilespmem:$0x9DA0] =	vst v3  }
0x78: {  	v3 =	vld [tilespmem:s16+$0xFFFFFFE0];
	_ =	sdelay $0x4  }
0x79: {  	[tilespmem:$0x9E20] =	vst v3  }
0x7a: {  	v3 =	vld [tilespmem:s15+$0xFFFFFFF0];
	_ =	sdelay $0x4  }
0x7b: {  	[tilespmem:$0x9DB0] =	vst v3  }
0x7c: {  	v3 =	vld [tilespmem:s16+$0xFFFFFFF0];
	_ =	sdelay $0x4  }
0x7d: {  	[tilespmem:$0x9E30] =	vst v3  }
0x7e: {  	v3 =	vld [tilespmem:s15+$0x0];
	_ =	sdelay $0x4  }
0x7f: {  	[tilespmem:$0x9DC0] =	vst v3  }
0x80: {  	v3 =	vld [tilespmem:s16+$0x0];
	_ =	sdelay $0x4  }
0x81: {  	[tilespmem:$0x9E40] =	vst v3  }
0x82: {  	v3 =	vld [tilespmem:s15+$0x10];
	_ =	sdelay $0x4  }
0x83: {  	[tilespmem:$0x9DD0] =	vst v3  }
0x84: {  	v3 =	vld [tilespmem:s16+$0x10];
	_ =	sdelay $0x4  }
0x85: {  	[tilespmem:$0x9E50] =	vst v3  }
0x86: {  	v3 =	vld [tilespmem:s15+$0x20];
	_ =	sdelay $0x4  }
0x87: {  	[tilespmem:$0x9DE0] =	vst v3  }
0x88: {  	v3 =	vld [tilespmem:s16+$0x20];
	_ =	sdelay $0x4  }
0x89: {  	[tilespmem:$0x9E60] =	vst v3  }
0x8a: {  	v3 =	vld [tilespmem:s15+$0x30];
	_ =	sdelay $0x4  }
0x8b: {  	[tilespmem:$0x9DF0] =	vst v3  }
0x8c: {  	v3 =	vld [tilespmem:s16+$0x30];
	_ =	sdelay $0x4  }
0x8d: {  	[tilespmem:$0x9E70] =	vst v3  }
0x8e: {  	[tilespmem:s12], [sflag:$0x1] =	stream.indirect.gather [hbm4b:s2+s8], $0x80, s11, s8, $0xb8;
	[tilespmem:$0xDE80] =	vst v63  }
0x8f: {  	_ =	swait.ge [sflag:s10], $0x4000  }
.Ltmp6:
0x90: {  	[sflag:s10] =	ssyncset.done $0x0;
	(pc) =	sbr.rel @p0 .LBB2_7-.Ltmp6, $4  }
0x91: {  	[sflag:s10] =	ssyncadd.s32 $0xFFFFC000  }
0x92: {  	[hbm4b:s4+s8] =	stream.indirect.scatter [tilespmem:s12], [sflag:$0x1], $0x80, s13, s8, $0xb8;
	[tilespmem:$0xDE80] =	vst v63  }
0x93: {  	_ =	swait.ge [sflag:s10], $0x4000  }
0x94: {  	[sflag:s10] =	ssyncset.done $0x0  }
.Ltmp7:
0x95: {  	_ = 	snop;
	(pc) =	sbr.rel .LBB2_8-.Ltmp7, $1  }
0x96: {  	_ =	sdelay $0x3  }
.LBB2_10:
0x97: {  	_ =	sfence.sel $0x180000  }
0x98: {  	[bflag:$0x0] =	sbarrier.arrive $0xFFFF  }
0x99: {  	p0 =	sne.s32 s1, $0x0;
	_ =	strace $0x9000004A  }
0x9a: {  	s0 =	sadd.s32 @!p0 $0x100000, s0;
	[bflag:$0x2] =	sbarrier.arrive $0xFFFF  }
0x9b: {  	[sflag:s0] =	ssyncadd.tile.s32 @!p0 $0x1;
	_ =	shalt  }
.Lfunc_end2:
_tile_overlayer_lowered:
.L_overlay_start_2:
0x9c: {  	(tag) =	ssettag $0x2  }
0x9d: {  	s0 =	rddreg [dreg:$0x0];
	s2 =	stileid.u32  }
0x9e: {  	s1 =	rddreg [dreg:$0x1];
	p0 =	sne.s32 s2, $0x0  }
0x9f: {  	s3 =	rddreg [dreg:$0x2];
	[bflag:$0x3] =	sbarrier.arrive $0xFFFF;
	s2 =	simm.s32 @!p0 $0x1C01  }
0xa0: {  	[timem:s3], [sflag:s2] =	dma.local @!p0 [hbm:s0], s1  }
0xa1: {  	s0 =	simm.s32 @!p0 $0x1  }
0xa2: {  	_ =	swait.ge @!p0 [sflag:s0], s1  }
0xa3: {  	s1 =	ssub.s32 @!p0 $0x0, s1;
	[sflag:s0] =	ssyncset.done @!p0 $0x0  }
0xa4: {  	[sflag:s0] =	ssyncadd.s32 @!p0 s1  }
0xa5: {  	[bflag:$0x3] =	sbarrier.arrive $0xFFFF  }
0xa6: {  	_ =	shalt  }

</sc_bundles>
